<compile_context>
chip_gen: v7x
topology: tpu7x:2x2x1
jax: 0.10.2.dev20260603
libtpu: 0.0.44.dev20260713+nightly
codegen_flags: <defaults>
</compile_context>

<pallas_src>
import functools

import jax
import jax.numpy as jnp
import numpy as np
from jax import lax
from jax.experimental import pallas as pl
from jax.experimental.pallas import tpu as pltpu
from jax.experimental.pallas import tpu_sc as plsc

_F = 26
_EMBED = 16
_BATCH = 16384
_FIELD_DIM = 100000
_D_IN = _F * _EMBED
_D_PAD = 512

_NC, _NS = 2, 16
_NW = _NC * _NS
_TOTAL_ROWS = _BATCH * _F
_BPW = _TOTAL_ROWS // _NW
_CHUNK = 1664
_NCHUNK = _BPW // _CHUNK
_OUT_ROWS = _BATCH * 32


def _gather_body(idx_hbm, oidx_hbm, table_hbm, out_hbm,
                 idx_v, oidx_v, rows_v, gsem, ssem):
    wid = lax.axis_index("s") * _NC + lax.axis_index("c")
    base = wid * _BPW
    pltpu.sync_copy(idx_hbm.at[pl.ds(base, _BPW)], idx_v)
    for ci in range(_NCHUNK):
        off = ci * _CHUNK
        pltpu.sync_copy(oidx_hbm.at[pl.ds(base + off, _CHUNK)], oidx_v)
        pltpu.async_copy(
            table_hbm.at[idx_v.at[pl.ds(off, _CHUNK)]], rows_v, gsem
        ).wait()
        pltpu.async_copy(rows_v, out_hbm.at[oidx_v], ssem).wait()


@functools.cache
def _make_gather():
    return pl.kernel(
        _gather_body,
        out_type=jax.ShapeDtypeStruct((_OUT_ROWS, _EMBED), jnp.float32),
        mesh=plsc.VectorSubcoreMesh(core_axis_name="c", subcore_axis_name="s"),
        scratch_types=[
            pltpu.VMEM((_BPW,), jnp.int32),
            pltpu.VMEM((_CHUNK,), jnp.int32),
            pltpu.VMEM((_CHUNK, _EMBED), jnp.float32),
            pltpu.SemaphoreType.DMA,
            pltpu.SemaphoreType.DMA,
        ],
        compiler_params=pltpu.CompilerParams(use_tc_tiling_on_sc=False),
    )


_BLK = 2048


def _mlp_body(x_ref, W1_ref, b1_ref, W2_ref, b2_ref, W3_ref, b3_ref,
              fca_ref, fcc_ref, fcb_ref, out_ref):
    emb = x_ref[...].reshape(_BLK, _D_PAD)[:, :_D_IN]
    h = jnp.maximum(
        jnp.dot(emb, W1_ref[...], preferred_element_type=jnp.float32,
                precision=lax.Precision.HIGHEST) + b1_ref[...], 0.0)
    h = jnp.maximum(
        jnp.dot(h, W2_ref[...], preferred_element_type=jnp.float32,
                precision=lax.Precision.HIGHEST) + b2_ref[...], 0.0)
    h = jnp.maximum(
        jnp.dot(h, W3_ref[...], preferred_element_type=jnp.float32,
                precision=lax.Precision.HIGHEST) + b3_ref[...], 0.0)
    s = (jnp.sum(emb * fca_ref[...], axis=1, keepdims=True)
         + jnp.sum(h * fcc_ref[...], axis=1, keepdims=True)
         + fcb_ref[...])
    out_ref[...] = jax.nn.sigmoid(s)


def _mlp(x128, W1, b1, W2, b2, W3, b3, fca, fcc, fcb):
    grid = (_BATCH // _BLK,)
    full = lambda shape: pl.BlockSpec(shape, lambda i: (0, 0))
    return pl.pallas_call(
        _mlp_body,
        grid=grid,
        in_specs=[
            pl.BlockSpec((_BLK * 4, 128), lambda i: (i, 0)),
            full(W1.shape), full(b1.shape), full(W2.shape), full(b2.shape),
            full(W3.shape), full(b3.shape), full(fca.shape), full(fcc.shape),
            full(fcb.shape),
        ],
        out_specs=pl.BlockSpec((_BLK, 1), lambda i: (i, 0)),
        out_shape=jax.ShapeDtypeStruct((_BATCH, 1), jnp.float32),
    )(x128, W1, b1, W2, b2, W3, b3, fca, fcc, fcb)


_OFFSETS = np.arange(_F, dtype=np.int32) * _FIELD_DIM
_OIDX = (32 * np.arange(_BATCH, dtype=np.int32)[:, None]
         + np.arange(_F, dtype=np.int32)[None, :]).reshape(-1)


def kernel(x, wide_table, embed_table, W1, b1, W2, b2, W3, b3, fcW, fcb):
    idx = (x + jnp.asarray(_OFFSETS)[None, :]).reshape(-1)
    oidx = jnp.asarray(_OIDX)
    rows = _make_gather()(idx, oidx, embed_table)
    x128 = rows.reshape(_BATCH * 4, 128)
    out = _mlp(
        x128, W1, b1.reshape(1, -1), W2, b2.reshape(1, -1), W3,
        b3.reshape(1, -1), fcW[:_D_IN, 0].reshape(1, _D_IN),
        fcW[_D_IN:, 0].reshape(1, 32), fcb.reshape(1, 1),
    )
    return out

# --- scband reference (transcript-rebuilt; emitter-appended) ---
"""Pipeline reference for scband-wide-deep-62843961475134 (READ-ONLY COPY).

The authoritative reference and input builder live on the scoring server;
editing this copy changes nothing except your own understanding.
"""

import jax, jax.numpy as jnp
import numpy as np

FIELD_DIMS = [100000] * 26
EMBED_DIM = 16
BATCH = 16384


def setup_inputs(seed: int = 0) -> dict:
    key = jax.random.key(seed)
    ks = jax.random.split(key, 12)
    F = len(FIELD_DIMS)
    total = int(sum(FIELD_DIMS))
    x = jax.random.randint(ks[0], (BATCH, F), 0, 100000, dtype=jnp.int32)
    wide_table = jax.random.normal(ks[1], (total, 1), dtype=jnp.float32) * 0.01
    embed_table = jax.random.normal(ks[2], (total, EMBED_DIM), dtype=jnp.float32) * 0.01
    d_in = EMBED_DIM * F
    W1 = jax.random.normal(ks[3], (d_in, 128), dtype=jnp.float32) * np.sqrt(2.0 / d_in)
    b1 = jnp.zeros((128,), dtype=jnp.float32)
    W2 = jax.random.normal(ks[4], (128, 64), dtype=jnp.float32) * np.sqrt(2.0 / 128)
    b2 = jnp.zeros((64,), dtype=jnp.float32)
    W3 = jax.random.normal(ks[5], (64, 32), dtype=jnp.float32) * np.sqrt(2.0 / 64)
    b3 = jnp.zeros((32,), dtype=jnp.float32)
    fcW = jax.random.normal(ks[6], (d_in + 32, 1), dtype=jnp.float32) * np.sqrt(1.0 / (d_in + 32))
    fcb = jnp.zeros((1,), dtype=jnp.float32)
    return {"x": x, "wide_table": wide_table, "embed_table": embed_table,
            "W1": W1, "b1": b1, "W2": W2, "b2": b2, "W3": W3, "b3": b3,
            "fcW": fcW, "fcb": fcb}


def reference(x, wide_table, embed_table, W1, b1, W2, b2, W3, b3, fcW, fcb):
    offsets = jnp.asarray(np.concatenate(([0], np.cumsum(FIELD_DIMS)[:-1])), dtype=x.dtype)
    idx = x + offsets[None, :]
    # wide branch (computed as in the original forward, though unused downstream)
    wide_output = jnp.take(wide_table, idx, axis=0)
    embedding_output = jnp.take(embed_table, idx, axis=0).reshape(x.shape[0], -1)
    h = jax.nn.relu(embedding_output @ W1 + b1)
    h = jax.nn.relu(h @ W2 + b2)
    deep_output = jax.nn.relu(h @ W3 + b3)
    concat = jnp.concatenate([embedding_output, deep_output], axis=1)
    output = jax.nn.sigmoid(concat @ fcW + fcb)
    return output

if __name__ == "__main__":
    import jax
    _d = setup_inputs()
    print(jax.jit(kernel)(*tuple(_d.values())))

</pallas_src>

<mosaic_0001>
#map = affine_map<(d0, d1) -> (0)>
#map1 = affine_map<(d0, d1) -> (0, 0)>
module attributes {stable_mosaic.version = 14 : i64} {
  func.func @_gather_body(%arg0: i32, %arg1: i32, %arg2: memref<425984xi32, #tpu.memory_space<hbm>>, %arg3: memref<425984xi32, #tpu.memory_space<hbm>>, %arg4: memref<2600000x16xf32, #tpu.memory_space<hbm>>, %arg5: memref<524288x16xf32, #tpu.memory_space<hbm>>, %arg6: memref<13312xi32, #tpu.memory_space<vmem>>, %arg7: memref<1664xi32, #tpu.memory_space<vmem>>, %arg8: memref<1664x16xf32, #tpu.memory_space<vmem>>, %arg9: memref<!tpu.dma_semaphore, #tpu.memory_space<semaphore_mem>>, %arg10: memref<!tpu.dma_semaphore, #tpu.memory_space<semaphore_mem>>) attributes {dimension_semantics = [#tpu.dimension_semantics<core_parallel>, #tpu.dimension_semantics<subcore_parallel>], iteration_bounds = array<i64: 2, 16>, scalar_prefetch = 0 : i64, scratch_operands = 5 : i64, tpu.core_type = #tpu.core_type<sc_vector_subcore>, window_params = [{transform_indices = #map}, {transform_indices = #map}, {transform_indices = #map1}, {transform_indices = #map1}]} {
    %mul3A = arith.constant 2 : i32
    %mul3A_0 = arith.muli %arg1, %mul3A : i32
    %add3A = arith.addi %mul3A_0, %arg0 : i32
    %mul3A_1 = arith.constant 13312 : i32
    %mul3A_2 = arith.muli %add3A, %mul3A_1 : i32
    "tpu.region"() ({
      %run_scoped3A = tpu.sem_alloc : memref<!tpu.dma_semaphore, #tpu.memory_space<semaphore_mem>>
      %dma_start3A_145 = tpu.memref_slice %arg2[%mul3A_2] : memref<425984xi32, #tpu.memory_space<hbm>> -> memref<13312xi32, #tpu.memory_space<hbm>>
      %dma_start3A_146 = tpu.memref_slice %arg2[%mul3A_2] : memref<425984xi32, #tpu.memory_space<hbm>> -> memref<13312xi32, #tpu.memory_space<hbm>>
      tpu.enqueue_dma source(%dma_start3A_146 : memref<13312xi32, #tpu.memory_space<hbm>>) target(%arg6 : memref<13312xi32, #tpu.memory_space<vmem>>) target_semaphore(%run_scoped3A : memref<!tpu.dma_semaphore, #tpu.memory_space<semaphore_mem>>)
      %dma_wait3A_147 = tpu.memref_slice %arg2[%mul3A_2] : memref<425984xi32, #tpu.memory_space<hbm>> -> memref<13312xi32, #tpu.memory_space<hbm>>
      %dma_wait3A_148 = tpu.memref_slice %arg2[%mul3A_2] : memref<425984xi32, #tpu.memory_space<hbm>> -> memref<13312xi32, #tpu.memory_space<hbm>>
      tpu.wait_dma2 semaphore(%run_scoped3A : memref<!tpu.dma_semaphore, #tpu.memory_space<semaphore_mem>>) src(%dma_wait3A_148 : memref<13312xi32, #tpu.memory_space<hbm>>) dst(%arg6 : memref<13312xi32, #tpu.memory_space<vmem>>)
      tpu.yield
    }) : () -> ()
    %add3A_3 = arith.constant 0 : i32
    %add3A_4 = arith.addi %mul3A_2, %add3A_3 : i32
    "tpu.region"() ({
      %run_scoped3A = tpu.sem_alloc : memref<!tpu.dma_semaphore, #tpu.memory_space<semaphore_mem>>
      %dma_start3A_145 = tpu.memref_slice %arg3[%add3A_4] : memref<425984xi32, #tpu.memory_space<hbm>> -> memref<1664xi32, #tpu.memory_space<hbm>>
      %dma_start3A_146 = tpu.memref_slice %arg3[%add3A_4] : memref<425984xi32, #tpu.memory_space<hbm>> -> memref<1664xi32, #tpu.memory_space<hbm>>
      tpu.enqueue_dma source(%dma_start3A_146 : memref<1664xi32, #tpu.memory_space<hbm>>) target(%arg7 : memref<1664xi32, #tpu.memory_space<vmem>>) target_semaphore(%run_scoped3A : memref<!tpu.dma_semaphore, #tpu.memory_space<semaphore_mem>>)
      %dma_wait3A_147 = tpu.memref_slice %arg3[%add3A_4] : memref<425984xi32, #tpu.memory_space<hbm>> -> memref<1664xi32, #tpu.memory_space<hbm>>
      %dma_wait3A_148 = tpu.memref_slice %arg3[%add3A_4] : memref<425984xi32, #tpu.memory_space<hbm>> -> memref<1664xi32, #tpu.memory_space<hbm>>
      tpu.wait_dma2 semaphore(%run_scoped3A : memref<!tpu.dma_semaphore, #tpu.memory_space<semaphore_mem>>) src(%dma_wait3A_148 : memref<1664xi32, #tpu.memory_space<hbm>>) dst(%arg7 : memref<1664xi32, #tpu.memory_space<vmem>>)
      tpu.yield
    }) : () -> ()
    %dma_start3A = arith.constant 0 : i32
    %dma_start3A_5 = tpu.memref_slice %arg6[%dma_start3A] : memref<13312xi32, #tpu.memory_space<vmem>> -> memref<1664xi32, #tpu.memory_space<vmem>>
    %dma_start3A_6 = arith.constant 0 : i32
    %dma_start3A_7 = arith.constant 0 : i32
    %dma_start3A_8 = tpu.memref_slice %arg4[%dma_start3A_6, %dma_start3A_7] : memref<2600000x16xf32, #tpu.memory_space<hbm>> -> memref<2600000x16xf32, #tpu.memory_space<hbm>>
    tpu.enqueue_indirect_dma source(%dma_start3A_8 : memref<2600000x16xf32, #tpu.memory_space<hbm>>) target(%arg8 : memref<1664x16xf32, #tpu.memory_space<vmem>>) offsets(%dma_start3A_5 : memref<1664xi32, #tpu.memory_space<vmem>>) semaphore(%arg9 : memref<!tpu.dma_semaphore, #tpu.memory_space<semaphore_mem>>)
    %dma_wait3A = arith.constant 0 : i32
    %dma_wait3A_9 = tpu.memref_slice %arg6[%dma_wait3A] : memref<13312xi32, #tpu.memory_space<vmem>> -> memref<1664xi32, #tpu.memory_space<vmem>>
    %dma_wait3A_10 = arith.constant 0 : i32
    %dma_wait3A_11 = arith.constant 0 : i32
    %dma_wait3A_12 = tpu.memref_slice %arg4[%dma_wait3A_10, %dma_wait3A_11] : memref<2600000x16xf32, #tpu.memory_space<hbm>> -> memref<2600000x16xf32, #tpu.memory_space<hbm>>
    tpu.wait_indirect_dma semaphore(%arg9 : memref<!tpu.dma_semaphore, #tpu.memory_space<semaphore_mem>>) src(%dma_wait3A_12 : memref<2600000x16xf32, #tpu.memory_space<hbm>>) dst(%arg8 : memref<1664x16xf32, #tpu.memory_space<vmem>>)
    %dma_start3A_13 = arith.constant 0 : i32
    %dma_start3A_14 = arith.constant 0 : i32
    %dma_start3A_15 = tpu.memref_slice %arg5[%dma_start3A_13, %dma_start3A_14] : memref<524288x16xf32, #tpu.memory_space<hbm>> -> memref<524288x16xf32, #tpu.memory_space<hbm>>
    tpu.enqueue_indirect_dma source(%arg8 : memref<1664x16xf32, #tpu.memory_space<vmem>>) target(%dma_start3A_15 : memref<524288x16xf32, #tpu.memory_space<hbm>>) offsets(%arg7 : memref<1664xi32, #tpu.memory_space<vmem>>) semaphore(%arg10 : memref<!tpu.dma_semaphore, #tpu.memory_space<semaphore_mem>>)
    %dma_wait3A_16 = arith.constant 0 : i32
    %dma_wait3A_17 = arith.constant 0 : i32
    %dma_wait3A_18 = tpu.memref_slice %arg5[%dma_wait3A_16, %dma_wait3A_17] : memref<524288x16xf32, #tpu.memory_space<hbm>> -> memref<524288x16xf32, #tpu.memory_space<hbm>>
    tpu.wait_indirect_dma semaphore(%arg10 : memref<!tpu.dma_semaphore, #tpu.memory_space<semaphore_mem>>) src(%arg8 : memref<1664x16xf32, #tpu.memory_space<vmem>>) dst(%dma_wait3A_18 : memref<524288x16xf32, #tpu.memory_space<hbm>>)
    %add3A_19 = arith.constant 1664 : i32
    %add3A_20 = arith.addi %mul3A_2, %add3A_19 : i32
    "tpu.region"() ({
      %run_scoped3A = tpu.sem_alloc : memref<!tpu.dma_semaphore, #tpu.memory_space<semaphore_mem>>
      %dma_start3A_145 = tpu.memref_slice %arg3[%add3A_20] : memref<425984xi32, #tpu.memory_space<hbm>> -> memref<1664xi32, #tpu.memory_space<hbm>>
      %dma_start3A_146 = tpu.memref_slice %arg3[%add3A_20] : memref<425984xi32, #tpu.memory_space<hbm>> -> memref<1664xi32, #tpu.memory_space<hbm>>
      tpu.enqueue_dma source(%dma_start3A_146 : memref<1664xi32, #tpu.memory_space<hbm>>) target(%arg7 : memref<1664xi32, #tpu.memory_space<vmem>>) target_semaphore(%run_scoped3A : memref<!tpu.dma_semaphore, #tpu.memory_space<semaphore_mem>>)
      %dma_wait3A_147 = tpu.memref_slice %arg3[%add3A_20] : memref<425984xi32, #tpu.memory_space<hbm>> -> memref<1664xi32, #tpu.memory_space<hbm>>
      %dma_wait3A_148 = tpu.memref_slice %arg3[%add3A_20] : memref<425984xi32, #tpu.memory_space<hbm>> -> memref<1664xi32, #tpu.memory_space<hbm>>
      tpu.wait_dma2 semaphore(%run_scoped3A : memref<!tpu.dma_semaphore, #tpu.memory_space<semaphore_mem>>) src(%dma_wait3A_148 : memref<1664xi32, #tpu.memory_space<hbm>>) dst(%arg7 : memref<1664xi32, #tpu.memory_space<vmem>>)
      tpu.yield
    }) : () -> ()
    %dma_start3A_21 = arith.constant 1664 : i32
    %dma_start3A_22 = tpu.memref_slice %arg6[%dma_start3A_21] : memref<13312xi32, #tpu.memory_space<vmem>> -> memref<1664xi32, #tpu.memory_space<vmem>>
    %dma_start3A_23 = arith.constant 0 : i32
    %dma_start3A_24 = arith.constant 0 : i32
    %dma_start3A_25 = tpu.memref_slice %arg4[%dma_start3A_23, %dma_start3A_24] : memref<2600000x16xf32, #tpu.memory_space<hbm>> -> memref<2600000x16xf32, #tpu.memory_space<hbm>>
    tpu.enqueue_indirect_dma source(%dma_start3A_25 : memref<2600000x16xf32, #tpu.memory_space<hbm>>) target(%arg8 : memref<1664x16xf32, #tpu.memory_space<vmem>>) offsets(%dma_start3A_22 : memref<1664xi32, #tpu.memory_space<vmem>>) semaphore(%arg9 : memref<!tpu.dma_semaphore, #tpu.memory_space<semaphore_mem>>)
    %dma_wait3A_26 = arith.constant 1664 : i32
    %dma_wait3A_27 = tpu.memref_slice %arg6[%dma_wait3A_26] : memref<13312xi32, #tpu.memory_space<vmem>> -> memref<1664xi32, #tpu.memory_space<vmem>>
    %dma_wait3A_28 = arith.constant 0 : i32
    %dma_wait3A_29 = arith.constant 0 : i32
    %dma_wait3A_30 = tpu.memref_slice %arg4[%dma_wait3A_28, %dma_wait3A_29] : memref<2600000x16xf32, #tpu.memory_space<hbm>> -> memref<2600000x16xf32, #tpu.memory_space<hbm>>
    tpu.wait_indirect_dma semaphore(%arg9 : memref<!tpu.dma_semaphore, #tpu.memory_space<semaphore_mem>>) src(%dma_wait3A_30 : memref<2600000x16xf32, #tpu.memory_space<hbm>>) dst(%arg8 : memref<1664x16xf32, #tpu.memory_space<vmem>>)
    %dma_start3A_31 = arith.constant 0 : i32
    %dma_start3A_32 = arith.constant 0 : i32
    %dma_start3A_33 = tpu.memref_slice %arg5[%dma_start3A_31, %dma_start3A_32] : memref<524288x16xf32, #tpu.memory_space<hbm>> -> memref<524288x16xf32, #tpu.memory_space<hbm>>
    tpu.enqueue_indirect_dma source(%arg8 : memref<1664x16xf32, #tpu.memory_space<vmem>>) target(%dma_start3A_33 : memref<524288x16xf32, #tpu.memory_space<hbm>>) offsets(%arg7 : memref<1664xi32, #tpu.memory_space<vmem>>) semaphore(%arg10 : memref<!tpu.dma_semaphore, #tpu.memory_space<semaphore_mem>>)
    %dma_wait3A_34 = arith.constant 0 : i32
    %dma_wait3A_35 = arith.constant 0 : i32
    %dma_wait3A_36 = tpu.memref_slice %arg5[%dma_wait3A_34, %dma_wait3A_35] : memref<524288x16xf32, #tpu.memory_space<hbm>> -> memref<524288x16xf32, #tpu.memory_space<hbm>>
    tpu.wait_indirect_dma semaphore(%arg10 : memref<!tpu.dma_semaphore, #tpu.memory_space<semaphore_mem>>) src(%arg8 : memref<1664x16xf32, #tpu.memory_space<vmem>>) dst(%dma_wait3A_36 : memref<524288x16xf32, #tpu.memory_space<hbm>>)
    %add3A_37 = arith.constant 3328 : i32
    %add3A_38 = arith.addi %mul3A_2, %add3A_37 : i32
    "tpu.region"() ({
      %run_scoped3A = tpu.sem_alloc : memref<!tpu.dma_semaphore, #tpu.memory_space<semaphore_mem>>
      %dma_start3A_145 = tpu.memref_slice %arg3[%add3A_38] : memref<425984xi32, #tpu.memory_space<hbm>> -> memref<1664xi32, #tpu.memory_space<hbm>>
      %dma_start3A_146 = tpu.memref_slice %arg3[%add3A_38] : memref<425984xi32, #tpu.memory_space<hbm>> -> memref<1664xi32, #tpu.memory_space<hbm>>
      tpu.enqueue_dma source(%dma_start3A_146 : memref<1664xi32, #tpu.memory_space<hbm>>) target(%arg7 : memref<1664xi32, #tpu.memory_space<vmem>>) target_semaphore(%run_scoped3A : memref<!tpu.dma_semaphore, #tpu.memory_space<semaphore_mem>>)
      %dma_wait3A_147 = tpu.memref_slice %arg3[%add3A_38] : memref<425984xi32, #tpu.memory_space<hbm>> -> memref<1664xi32, #tpu.memory_space<hbm>>
      %dma_wait3A_148 = tpu.memref_slice %arg3[%add3A_38] : memref<425984xi32, #tpu.memory_space<hbm>> -> memref<1664xi32, #tpu.memory_space<hbm>>
      tpu.wait_dma2 semaphore(%run_scoped3A : memref<!tpu.dma_semaphore, #tpu.memory_space<semaphore_mem>>) src(%dma_wait3A_148 : memref<1664xi32, #tpu.memory_space<hbm>>) dst(%arg7 : memref<1664xi32, #tpu.memory_space<vmem>>)
      tpu.yield
    }) : () -> ()
    %dma_start3A_39 = arith.constant 3328 : i32
    %dma_start3A_40 = tpu.memref_slice %arg6[%dma_start3A_39] : memref<13312xi32, #tpu.memory_space<vmem>> -> memref<1664xi32, #tpu.memory_space<vmem>>
    %dma_start3A_41 = arith.constant 0 : i32
    %dma_start3A_42 = arith.constant 0 : i32
    %dma_start3A_43 = tpu.memref_slice %arg4[%dma_start3A_41, %dma_start3A_42] : memref<2600000x16xf32, #tpu.memory_space<hbm>> -> memref<2600000x16xf32, #tpu.memory_space<hbm>>
    tpu.enqueue_indirect_dma source(%dma_start3A_43 : memref<2600000x16xf32, #tpu.memory_space<hbm>>) target(%arg8 : memref<1664x16xf32, #tpu.memory_space<vmem>>) offsets(%dma_start3A_40 : memref<1664xi32, #tpu.memory_space<vmem>>) semaphore(%arg9 : memref<!tpu.dma_semaphore, #tpu.memory_space<semaphore_mem>>)
    %dma_wait3A_44 = arith.constant 3328 : i32
    %dma_wait3A_45 = tpu.memref_slice %arg6[%dma_wait3A_44] : memref<13312xi32, #tpu.memory_space<vmem>> -> memref<1664xi32, #tpu.memory_space<vmem>>
    %dma_wait3A_46 = arith.constant 0 : i32
    %dma_wait3A_47 = arith.constant 0 : i32
    %dma_wait3A_48 = tpu.memref_slice %arg4[%dma_wait3A_46, %dma_wait3A_47] : memref<2600000x16xf32, #tpu.memory_space<hbm>> -> memref<2600000x16xf32, #tpu.memory_space<hbm>>
    tpu.wait_indirect_dma semaphore(%arg9 : memref<!tpu.dma_semaphore, #tpu.memory_space<semaphore_mem>>) src(%dma_wait3A_48 : memref<2600000x16xf32, #tpu.memory_space<hbm>>) dst(%arg8 : memref<1664x16xf32, #tpu.memory_space<vmem>>)
    %dma_start3A_49 = arith.constant 0 : i32
    %dma_start3A_50 = arith.constant 0 : i32
    %dma_start3A_51 = tpu.memref_slice %arg5[%dma_start3A_49, %dma_start3A_50] : memref<524288x16xf32, #tpu.memory_space<hbm>> -> memref<524288x16xf32, #tpu.memory_space<hbm>>
    tpu.enqueue_indirect_dma source(%arg8 : memref<1664x16xf32, #tpu.memory_space<vmem>>) target(%dma_start3A_51 : memref<524288x16xf32, #tpu.memory_space<hbm>>) offsets(%arg7 : memref<1664xi32, #tpu.memory_space<vmem>>) semaphore(%arg10 : memref<!tpu.dma_semaphore, #tpu.memory_space<semaphore_mem>>)
    %dma_wait3A_52 = arith.constant 0 : i32
    %dma_wait3A_53 = arith.constant 0 : i32
    %dma_wait3A_54 = tpu.memref_slice %arg5[%dma_wait3A_52, %dma_wait3A_53] : memref<524288x16xf32, #tpu.memory_space<hbm>> -> memref<524288x16xf32, #tpu.memory_space<hbm>>
    tpu.wait_indirect_dma semaphore(%arg10 : memref<!tpu.dma_semaphore, #tpu.memory_space<semaphore_mem>>) src(%arg8 : memref<1664x16xf32, #tpu.memory_space<vmem>>) dst(%dma_wait3A_54 : memref<524288x16xf32, #tpu.memory_space<hbm>>)
    %add3A_55 = arith.constant 4992 : i32
    %add3A_56 = arith.addi %mul3A_2, %add3A_55 : i32
    "tpu.region"() ({
      %run_scoped3A = tpu.sem_alloc : memref<!tpu.dma_semaphore, #tpu.memory_space<semaphore_mem>>
      %dma_start3A_145 = tpu.memref_slice %arg3[%add3A_56] : memref<425984xi32, #tpu.memory_space<hbm>> -> memref<1664xi32, #tpu.memory_space<hbm>>
      %dma_start3A_146 = tpu.memref_slice %arg3[%add3A_56] : memref<425984xi32, #tpu.memory_space<hbm>> -> memref<1664xi32, #tpu.memory_space<hbm>>
      tpu.enqueue_dma source(%dma_start3A_146 : memref<1664xi32, #tpu.memory_space<hbm>>) target(%arg7 : memref<1664xi32, #tpu.memory_space<vmem>>) target_semaphore(%run_scoped3A : memref<!tpu.dma_semaphore, #tpu.memory_space<semaphore_mem>>)
      %dma_wait3A_147 = tpu.memref_slice %arg3[%add3A_56] : memref<425984xi32, #tpu.memory_space<hbm>> -> memref<1664xi32, #tpu.memory_space<hbm>>
      %dma_wait3A_148 = tpu.memref_slice %arg3[%add3A_56] : memref<425984xi32, #tpu.memory_space<hbm>> -> memref<1664xi32, #tpu.memory_space<hbm>>
      tpu.wait_dma2 semaphore(%run_scoped3A : memref<!tpu.dma_semaphore, #tpu.memory_space<semaphore_mem>>) src(%dma_wait3A_148 : memref<1664xi32, #tpu.memory_space<hbm>>) dst(%arg7 : memref<1664xi32, #tpu.memory_space<vmem>>)
      tpu.yield
    }) : () -> ()
    %dma_start3A_57 = arith.constant 4992 : i32
    %dma_start3A_58 = tpu.memref_slice %arg6[%dma_start3A_57] : memref<13312xi32, #tpu.memory_space<vmem>> -> memref<1664xi32, #tpu.memory_space<vmem>>
    %dma_start3A_59 = arith.constant 0 : i32
    %dma_start3A_60 = arith.constant 0 : i32
    %dma_start3A_61 = tpu.memref_slice %arg4[%dma_start3A_59, %dma_start3A_60] : memref<2600000x16xf32, #tpu.memory_space<hbm>> -> memref<2600000x16xf32, #tpu.memory_space<hbm>>
    tpu.enqueue_indirect_dma source(%dma_start3A_61 : memref<2600000x16xf32, #tpu.memory_space<hbm>>) target(%arg8 : memref<1664x16xf32, #tpu.memory_space<vmem>>) offsets(%dma_start3A_58 : memref<1664xi32, #tpu.memory_space<vmem>>) semaphore(%arg9 : memref<!tpu.dma_semaphore, #tpu.memory_space<semaphore_mem>>)
    %dma_wait3A_62 = arith.constant 4992 : i32
    %dma_wait3A_63 = tpu.memref_slice %arg6[%dma_wait3A_62] : memref<13312xi32, #tpu.memory_space<vmem>> -> memref<1664xi32, #tpu.memory_space<vmem>>
    %dma_wait3A_64 = arith.constant 0 : i32
    %dma_wait3A_65 = arith.constant 0 : i32
    %dma_wait3A_66 = tpu.memref_slice %arg4[%dma_wait3A_64, %dma_wait3A_65] : memref<2600000x16xf32, #tpu.memory_space<hbm>> -> memref<2600000x16xf32, #tpu.memory_space<hbm>>
    tpu.wait_indirect_dma semaphore(%arg9 : memref<!tpu.dma_semaphore, #tpu.memory_space<semaphore_mem>>) src(%dma_wait3A_66 : memref<2600000x16xf32, #tpu.memory_space<hbm>>) dst(%arg8 : memref<1664x16xf32, #tpu.memory_space<vmem>>)
    %dma_start3A_67 = arith.constant 0 : i32
    %dma_start3A_68 = arith.constant 0 : i32
    %dma_start3A_69 = tpu.memref_slice %arg5[%dma_start3A_67, %dma_start3A_68] : memref<524288x16xf32, #tpu.memory_space<hbm>> -> memref<524288x16xf32, #tpu.memory_space<hbm>>
    tpu.enqueue_indirect_dma source(%arg8 : memref<1664x16xf32, #tpu.memory_space<vmem>>) target(%dma_start3A_69 : memref<524288x16xf32, #tpu.memory_space<hbm>>) offsets(%arg7 : memref<1664xi32, #tpu.memory_space<vmem>>) semaphore(%arg10 : memref<!tpu.dma_semaphore, #tpu.memory_space<semaphore_mem>>)
    %dma_wait3A_70 = arith.constant 0 : i32
    %dma_wait3A_71 = arith.constant 0 : i32
    %dma_wait3A_72 = tpu.memref_slice %arg5[%dma_wait3A_70, %dma_wait3A_71] : memref<524288x16xf32, #tpu.memory_space<hbm>> -> memref<524288x16xf32, #tpu.memory_space<hbm>>
    tpu.wait_indirect_dma semaphore(%arg10 : memref<!tpu.dma_semaphore, #tpu.memory_space<semaphore_mem>>) src(%arg8 : memref<1664x16xf32, #tpu.memory_space<vmem>>) dst(%dma_wait3A_72 : memref<524288x16xf32, #tpu.memory_space<hbm>>)
    %add3A_73 = arith.constant 6656 : i32
    %add3A_74 = arith.addi %mul3A_2, %add3A_73 : i32
    "tpu.region"() ({
      %run_scoped3A = tpu.sem_alloc : memref<!tpu.dma_semaphore, #tpu.memory_space<semaphore_mem>>
      %dma_start3A_145 = tpu.memref_slice %arg3[%add3A_74] : memref<425984xi32, #tpu.memory_space<hbm>> -> memref<1664xi32, #tpu.memory_space<hbm>>
      %dma_start3A_146 = tpu.memref_slice %arg3[%add3A_74] : memref<425984xi32, #tpu.memory_space<hbm>> -> memref<1664xi32, #tpu.memory_space<hbm>>
      tpu.enqueue_dma source(%dma_start3A_146 : memref<1664xi32, #tpu.memory_space<hbm>>) target(%arg7 : memref<1664xi32, #tpu.memory_space<vmem>>) target_semaphore(%run_scoped3A : memref<!tpu.dma_semaphore, #tpu.memory_space<semaphore_mem>>)
      %dma_wait3A_147 = tpu.memref_slice %arg3[%add3A_74] : memref<425984xi32, #tpu.memory_space<hbm>> -> memref<1664xi32, #tpu.memory_space<hbm>>
      %dma_wait3A_148 = tpu.memref_slice %arg3[%add3A_74] : memref<425984xi32, #tpu.memory_space<hbm>> -> memref<1664xi32, #tpu.memory_space<hbm>>
      tpu.wait_dma2 semaphore(%run_scoped3A : memref<!tpu.dma_semaphore, #tpu.memory_space<semaphore_mem>>) src(%dma_wait3A_148 : memref<1664xi32, #tpu.memory_space<hbm>>) dst(%arg7 : memref<1664xi32, #tpu.memory_space<vmem>>)
      tpu.yield
    }) : () -> ()
    %dma_start3A_75 = arith.constant 6656 : i32
    %dma_start3A_76 = tpu.memref_slice %arg6[%dma_start3A_75] : memref<13312xi32, #tpu.memory_space<vmem>> -> memref<1664xi32, #tpu.memory_space<vmem>>
    %dma_start3A_77 = arith.constant 0 : i32
    %dma_start3A_78 = arith.constant 0 : i32
    %dma_start3A_79 = tpu.memref_slice %arg4[%dma_start3A_77, %dma_start3A_78] : memref<2600000x16xf32, #tpu.memory_space<hbm>> -> memref<2600000x16xf32, #tpu.memory_space<hbm>>
    tpu.enqueue_indirect_dma source(%dma_start3A_79 : memref<2600000x16xf32, #tpu.memory_space<hbm>>) target(%arg8 : memref<1664x16xf32, #tpu.memory_space<vmem>>) offsets(%dma_start3A_76 : memref<1664xi32, #tpu.memory_space<vmem>>) semaphore(%arg9 : memref<!tpu.dma_semaphore, #tpu.memory_space<semaphore_mem>>)
    %dma_wait3A_80 = arith.constant 6656 : i32
    %dma_wait3A_81 = tpu.memref_slice %arg6[%dma_wait3A_80] : memref<13312xi32, #tpu.memory_space<vmem>> -> memref<1664xi32, #tpu.memory_space<vmem>>
    %dma_wait3A_82 = arith.constant 0 : i32
    %dma_wait3A_83 = arith.constant 0 : i32
    %dma_wait3A_84 = tpu.memref_slice %arg4[%dma_wait3A_82, %dma_wait3A_83] : memref<2600000x16xf32, #tpu.memory_space<hbm>> -> memref<2600000x16xf32, #tpu.memory_space<hbm>>
    tpu.wait_indirect_dma semaphore(%arg9 : memref<!tpu.dma_semaphore, #tpu.memory_space<semaphore_mem>>) src(%dma_wait3A_84 : memref<2600000x16xf32, #tpu.memory_space<hbm>>) dst(%arg8 : memref<1664x16xf32, #tpu.memory_space<vmem>>)
    %dma_start3A_85 = arith.constant 0 : i32
    %dma_start3A_86 = arith.constant 0 : i32
    %dma_start3A_87 = tpu.memref_slice %arg5[%dma_start3A_85, %dma_start3A_86] : memref<524288x16xf32, #tpu.memory_space<hbm>> -> memref<524288x16xf32, #tpu.memory_space<hbm>>
    tpu.enqueue_indirect_dma source(%arg8 : memref<1664x16xf32, #tpu.memory_space<vmem>>) target(%dma_start3A_87 : memref<524288x16xf32, #tpu.memory_space<hbm>>) offsets(%arg7 : memref<1664xi32, #tpu.memory_space<vmem>>) semaphore(%arg10 : memref<!tpu.dma_semaphore, #tpu.memory_space<semaphore_mem>>)
    %dma_wait3A_88 = arith.constant 0 : i32
    %dma_wait3A_89 = arith.constant 0 : i32
    %dma_wait3A_90 = tpu.memref_slice %arg5[%dma_wait3A_88, %dma_wait3A_89] : memref<524288x16xf32, #tpu.memory_space<hbm>> -> memref<524288x16xf32, #tpu.memory_space<hbm>>
    tpu.wait_indirect_dma semaphore(%arg10 : memref<!tpu.dma_semaphore, #tpu.memory_space<semaphore_mem>>) src(%arg8 : memref<1664x16xf32, #tpu.memory_space<vmem>>) dst(%dma_wait3A_90 : memref<524288x16xf32, #tpu.memory_space<hbm>>)
    %add3A_91 = arith.constant 8320 : i32
    %add3A_92 = arith.addi %mul3A_2, %add3A_91 : i32
    "tpu.region"() ({
      %run_scoped3A = tpu.sem_alloc : memref<!tpu.dma_semaphore, #tpu.memory_space<semaphore_mem>>
      %dma_start3A_145 = tpu.memref_slice %arg3[%add3A_92] : memref<425984xi32, #tpu.memory_space<hbm>> -> memref<1664xi32, #tpu.memory_space<hbm>>
      %dma_start3A_146 = tpu.memref_slice %arg3[%add3A_92] : memref<425984xi32, #tpu.memory_space<hbm>> -> memref<1664xi32, #tpu.memory_space<hbm>>
      tpu.enqueue_dma source(%dma_start3A_146 : memref<1664xi32, #tpu.memory_space<hbm>>) target(%arg7 : memref<1664xi32, #tpu.memory_space<vmem>>) target_semaphore(%run_scoped3A : memref<!tpu.dma_semaphore, #tpu.memory_space<semaphore_mem>>)
      %dma_wait3A_147 = tpu.memref_slice %arg3[%add3A_92] : memref<425984xi32, #tpu.memory_space<hbm>> -> memref<1664xi32, #tpu.memory_space<hbm>>
      %dma_wait3A_148 = tpu.memref_slice %arg3[%add3A_92] : memref<425984xi32, #tpu.memory_space<hbm>> -> memref<1664xi32, #tpu.memory_space<hbm>>
      tpu.wait_dma2 semaphore(%run_scoped3A : memref<!tpu.dma_semaphore, #tpu.memory_space<semaphore_mem>>) src(%dma_wait3A_148 : memref<1664xi32, #tpu.memory_space<hbm>>) dst(%arg7 : memref<1664xi32, #tpu.memory_space<vmem>>)
      tpu.yield
    }) : () -> ()
    %dma_start3A_93 = arith.constant 8320 : i32
    %dma_start3A_94 = tpu.memref_slice %arg6[%dma_start3A_93] : memref<13312xi32, #tpu.memory_space<vmem>> -> memref<1664xi32, #tpu.memory_space<vmem>>
    %dma_start3A_95 = arith.constant 0 : i32
    %dma_start3A_96 = arith.constant 0 : i32
    %dma_start3A_97 = tpu.memref_slice %arg4[%dma_start3A_95, %dma_start3A_96] : memref<2600000x16xf32, #tpu.memory_space<hbm>> -> memref<2600000x16xf32, #tpu.memory_space<hbm>>
    tpu.enqueue_indirect_dma source(%dma_start3A_97 : memref<2600000x16xf32, #tpu.memory_space<hbm>>) target(%arg8 : memref<1664x16xf32, #tpu.memory_space<vmem>>) offsets(%dma_start3A_94 : memref<1664xi32, #tpu.memory_space<vmem>>) semaphore(%arg9 : memref<!tpu.dma_semaphore, #tpu.memory_space<semaphore_mem>>)
    %dma_wait3A_98 = arith.constant 8320 : i32
    %dma_wait3A_99 = tpu.memref_slice %arg6[%dma_wait3A_98] : memref<13312xi32, #tpu.memory_space<vmem>> -> memref<1664xi32, #tpu.memory_space<vmem>>
    %dma_wait3A_100 = arith.constant 0 : i32
    %dma_wait3A_101 = arith.constant 0 : i32
    %dma_wait3A_102 = tpu.memref_slice %arg4[%dma_wait3A_100, %dma_wait3A_101] : memref<2600000x16xf32, #tpu.memory_space<hbm>> -> memref<2600000x16xf32, #tpu.memory_space<hbm>>
    tpu.wait_indirect_dma semaphore(%arg9 : memref<!tpu.dma_semaphore, #tpu.memory_space<semaphore_mem>>) src(%dma_wait3A_102 : memref<2600000x16xf32, #tpu.memory_space<hbm>>) dst(%arg8 : memref<1664x16xf32, #tpu.memory_space<vmem>>)
    %dma_start3A_103 = arith.constant 0 : i32
    %dma_start3A_104 = arith.constant 0 : i32
    %dma_start3A_105 = tpu.memref_slice %arg5[%dma_start3A_103, %dma_start3A_104] : memref<524288x16xf32, #tpu.memory_space<hbm>> -> memref<524288x16xf32, #tpu.memory_space<hbm>>
    tpu.enqueue_indirect_dma source(%arg8 : memref<1664x16xf32, #tpu.memory_space<vmem>>) target(%dma_start3A_105 : memref<524288x16xf32, #tpu.memory_space<hbm>>) offsets(%arg7 : memref<1664xi32, #tpu.memory_space<vmem>>) semaphore(%arg10 : memref<!tpu.dma_semaphore, #tpu.memory_space<semaphore_mem>>)
    %dma_wait3A_106 = arith.constant 0 : i32
    %dma_wait3A_107 = arith.constant 0 : i32
    %dma_wait3A_108 = tpu.memref_slice %arg5[%dma_wait3A_106, %dma_wait3A_107] : memref<524288x16xf32, #tpu.memory_space<hbm>> -> memref<524288x16xf32, #tpu.memory_space<hbm>>
    tpu.wait_indirect_dma semaphore(%arg10 : memref<!tpu.dma_semaphore, #tpu.memory_space<semaphore_mem>>) src(%arg8 : memref<1664x16xf32, #tpu.memory_space<vmem>>) dst(%dma_wait3A_108 : memref<524288x16xf32, #tpu.memory_space<hbm>>)
    %add3A_109 = arith.constant 9984 : i32
    %add3A_110 = arith.addi %mul3A_2, %add3A_109 : i32
    "tpu.region"() ({
      %run_scoped3A = tpu.sem_alloc : memref<!tpu.dma_semaphore, #tpu.memory_space<semaphore_mem>>
      %dma_start3A_145 = tpu.memref_slice %arg3[%add3A_110] : memref<425984xi32, #tpu.memory_space<hbm>> -> memref<1664xi32, #tpu.memory_space<hbm>>
      %dma_start3A_146 = tpu.memref_slice %arg3[%add3A_110] : memref<425984xi32, #tpu.memory_space<hbm>> -> memref<1664xi32, #tpu.memory_space<hbm>>
      tpu.enqueue_dma source(%dma_start3A_146 : memref<1664xi32, #tpu.memory_space<hbm>>) target(%arg7 : memref<1664xi32, #tpu.memory_space<vmem>>) target_semaphore(%run_scoped3A : memref<!tpu.dma_semaphore, #tpu.memory_space<semaphore_mem>>)
      %dma_wait3A_147 = tpu.memref_slice %arg3[%add3A_110] : memref<425984xi32, #tpu.memory_space<hbm>> -> memref<1664xi32, #tpu.memory_space<hbm>>
      %dma_wait3A_148 = tpu.memref_slice %arg3[%add3A_110] : memref<425984xi32, #tpu.memory_space<hbm>> -> memref<1664xi32, #tpu.memory_space<hbm>>
      tpu.wait_dma2 semaphore(%run_scoped3A : memref<!tpu.dma_semaphore, #tpu.memory_space<semaphore_mem>>) src(%dma_wait3A_148 : memref<1664xi32, #tpu.memory_space<hbm>>) dst(%arg7 : memref<1664xi32, #tpu.memory_space<vmem>>)
      tpu.yield
    }) : () -> ()
    %dma_start3A_111 = arith.constant 9984 : i32
    %dma_start3A_112 = tpu.memref_slice %arg6[%dma_start3A_111] : memref<13312xi32, #tpu.memory_space<vmem>> -> memref<1664xi32, #tpu.memory_space<vmem>>
    %dma_start3A_113 = arith.constant 0 : i32
    %dma_start3A_114 = arith.constant 0 : i32
    %dma_start3A_115 = tpu.memref_slice %arg4[%dma_start3A_113, %dma_start3A_114] : memref<2600000x16xf32, #tpu.memory_space<hbm>> -> memref<2600000x16xf32, #tpu.memory_space<hbm>>
    tpu.enqueue_indirect_dma source(%dma_start3A_115 : memref<2600000x16xf32, #tpu.memory_space<hbm>>) target(%arg8 : memref<1664x16xf32, #tpu.memory_space<vmem>>) offsets(%dma_start3A_112 : memref<1664xi32, #tpu.memory_space<vmem>>) semaphore(%arg9 : memref<!tpu.dma_semaphore, #tpu.memory_space<semaphore_mem>>)
    %dma_wait3A_116 = arith.constant 9984 : i32
    %dma_wait3A_117 = tpu.memref_slice %arg6[%dma_wait3A_116] : memref<13312xi32, #tpu.memory_space<vmem>> -> memref<1664xi32, #tpu.memory_space<vmem>>
    %dma_wait3A_118 = arith.constant 0 : i32
    %dma_wait3A_119 = arith.constant 0 : i32
    %dma_wait3A_120 = tpu.memref_slice %arg4[%dma_wait3A_118, %dma_wait3A_119] : memref<2600000x16xf32, #tpu.memory_space<hbm>> -> memref<2600000x16xf32, #tpu.memory_space<hbm>>
    tpu.wait_indirect_dma semaphore(%arg9 : memref<!tpu.dma_semaphore, #tpu.memory_space<semaphore_mem>>) src(%dma_wait3A_120 : memref<2600000x16xf32, #tpu.memory_space<hbm>>) dst(%arg8 : memref<1664x16xf32, #tpu.memory_space<vmem>>)
    %dma_start3A_121 = arith.constant 0 : i32
    %dma_start3A_122 = arith.constant 0 : i32
    %dma_start3A_123 = tpu.memref_slice %arg5[%dma_start3A_121, %dma_start3A_122] : memref<524288x16xf32, #tpu.memory_space<hbm>> -> memref<524288x16xf32, #tpu.memory_space<hbm>>
    tpu.enqueue_indirect_dma source(%arg8 : memref<1664x16xf32, #tpu.memory_space<vmem>>) target(%dma_start3A_123 : memref<524288x16xf32, #tpu.memory_space<hbm>>) offsets(%arg7 : memref<1664xi32, #tpu.memory_space<vmem>>) semaphore(%arg10 : memref<!tpu.dma_semaphore, #tpu.memory_space<semaphore_mem>>)
    %dma_wait3A_124 = arith.constant 0 : i32
    %dma_wait3A_125 = arith.constant 0 : i32
    %dma_wait3A_126 = tpu.memref_slice %arg5[%dma_wait3A_124, %dma_wait3A_125] : memref<524288x16xf32, #tpu.memory_space<hbm>> -> memref<524288x16xf32, #tpu.memory_space<hbm>>
    tpu.wait_indirect_dma semaphore(%arg10 : memref<!tpu.dma_semaphore, #tpu.memory_space<semaphore_mem>>) src(%arg8 : memref<1664x16xf32, #tpu.memory_space<vmem>>) dst(%dma_wait3A_126 : memref<524288x16xf32, #tpu.memory_space<hbm>>)
    %add3A_127 = arith.constant 11648 : i32
    %add3A_128 = arith.addi %mul3A_2, %add3A_127 : i32
    "tpu.region"() ({
      %run_scoped3A = tpu.sem_alloc : memref<!tpu.dma_semaphore, #tpu.memory_space<semaphore_mem>>
      %dma_start3A_145 = tpu.memref_slice %arg3[%add3A_128] : memref<425984xi32, #tpu.memory_space<hbm>> -> memref<1664xi32, #tpu.memory_space<hbm>>
      %dma_start3A_146 = tpu.memref_slice %arg3[%add3A_128] : memref<425984xi32, #tpu.memory_space<hbm>> -> memref<1664xi32, #tpu.memory_space<hbm>>
      tpu.enqueue_dma source(%dma_start3A_146 : memref<1664xi32, #tpu.memory_space<hbm>>) target(%arg7 : memref<1664xi32, #tpu.memory_space<vmem>>) target_semaphore(%run_scoped3A : memref<!tpu.dma_semaphore, #tpu.memory_space<semaphore_mem>>)
      %dma_wait3A_147 = tpu.memref_slice %arg3[%add3A_128] : memref<425984xi32, #tpu.memory_space<hbm>> -> memref<1664xi32, #tpu.memory_space<hbm>>
      %dma_wait3A_148 = tpu.memref_slice %arg3[%add3A_128] : memref<425984xi32, #tpu.memory_space<hbm>> -> memref<1664xi32, #tpu.memory_space<hbm>>
      tpu.wait_dma2 semaphore(%run_scoped3A : memref<!tpu.dma_semaphore, #tpu.memory_space<semaphore_mem>>) src(%dma_wait3A_148 : memref<1664xi32, #tpu.memory_space<hbm>>) dst(%arg7 : memref<1664xi32, #tpu.memory_space<vmem>>)
      tpu.yield
    }) : () -> ()
    %dma_start3A_129 = arith.constant 11648 : i32
    %dma_start3A_130 = tpu.memref_slice %arg6[%dma_start3A_129] : memref<13312xi32, #tpu.memory_space<vmem>> -> memref<1664xi32, #tpu.memory_space<vmem>>
    %dma_start3A_131 = arith.constant 0 : i32
    %dma_start3A_132 = arith.constant 0 : i32
    %dma_start3A_133 = tpu.memref_slice %arg4[%dma_start3A_131, %dma_start3A_132] : memref<2600000x16xf32, #tpu.memory_space<hbm>> -> memref<2600000x16xf32, #tpu.memory_space<hbm>>
    tpu.enqueue_indirect_dma source(%dma_start3A_133 : memref<2600000x16xf32, #tpu.memory_space<hbm>>) target(%arg8 : memref<1664x16xf32, #tpu.memory_space<vmem>>) offsets(%dma_start3A_130 : memref<1664xi32, #tpu.memory_space<vmem>>) semaphore(%arg9 : memref<!tpu.dma_semaphore, #tpu.memory_space<semaphore_mem>>)
    %dma_wait3A_134 = arith.constant 11648 : i32
    %dma_wait3A_135 = tpu.memref_slice %arg6[%dma_wait3A_134] : memref<13312xi32, #tpu.memory_space<vmem>> -> memref<1664xi32, #tpu.memory_space<vmem>>
    %dma_wait3A_136 = arith.constant 0 : i32
    %dma_wait3A_137 = arith.constant 0 : i32
    %dma_wait3A_138 = tpu.memref_slice %arg4[%dma_wait3A_136, %dma_wait3A_137] : memref<2600000x16xf32, #tpu.memory_space<hbm>> -> memref<2600000x16xf32, #tpu.memory_space<hbm>>
    tpu.wait_indirect_dma semaphore(%arg9 : memref<!tpu.dma_semaphore, #tpu.memory_space<semaphore_mem>>) src(%dma_wait3A_138 : memref<2600000x16xf32, #tpu.memory_space<hbm>>) dst(%arg8 : memref<1664x16xf32, #tpu.memory_space<vmem>>)
    %dma_start3A_139 = arith.constant 0 : i32
    %dma_start3A_140 = arith.constant 0 : i32
    %dma_start3A_141 = tpu.memref_slice %arg5[%dma_start3A_139, %dma_start3A_140] : memref<524288x16xf32, #tpu.memory_space<hbm>> -> memref<524288x16xf32, #tpu.memory_space<hbm>>
    tpu.enqueue_indirect_dma source(%arg8 : memref<1664x16xf32, #tpu.memory_space<vmem>>) target(%dma_start3A_141 : memref<524288x16xf32, #tpu.memory_space<hbm>>) offsets(%arg7 : memref<1664xi32, #tpu.memory_space<vmem>>) semaphore(%arg10 : memref<!tpu.dma_semaphore, #tpu.memory_space<semaphore_mem>>)
    %dma_wait3A_142 = arith.constant 0 : i32
    %dma_wait3A_143 = arith.constant 0 : i32
    %dma_wait3A_144 = tpu.memref_slice %arg5[%dma_wait3A_142, %dma_wait3A_143] : memref<524288x16xf32, #tpu.memory_space<hbm>> -> memref<524288x16xf32, #tpu.memory_space<hbm>>
    tpu.wait_indirect_dma semaphore(%arg10 : memref<!tpu.dma_semaphore, #tpu.memory_space<semaphore_mem>>) src(%arg8 : memref<1664x16xf32, #tpu.memory_space<vmem>>) dst(%dma_wait3A_144 : memref<524288x16xf32, #tpu.memory_space<hbm>>)
    return
  }
}

module attributes {stable_mosaic.version = 14 : i64} {
  func.func @_mlp_body(%arg0: i32, %arg1: memref<8192x128xf32, #tpu.memory_space<vmem>>, %arg2: memref<416x128xf32, #tpu.memory_space<vmem>>, %arg3: memref<1x128xf32, #tpu.memory_space<vmem>>, %arg4: memref<128x64xf32, #tpu.memory_space<vmem>>, %arg5: memref<1x64xf32, #tpu.memory_space<vmem>>, %arg6: memref<64x32xf32, #tpu.memory_space<vmem>>, %arg7: memref<1x32xf32, #tpu.memory_space<vmem>>, %arg8: memref<1x416xf32, #tpu.memory_space<vmem>>, %arg9: memref<1x32xf32, #tpu.memory_space<vmem>>, %arg10: memref<1x1xf32, #tpu.memory_space<vmem>>, %arg11: memref<2048x1xf32, #tpu.memory_space<vmem>>) attributes {dimension_semantics = [#tpu.dimension_semantics<arbitrary>], iteration_bounds = array<i64: 8>, scalar_prefetch = 0 : i64, scratch_operands = 0 : i64, tpu.core_type = #tpu.core_type<tc>, window_params = [{transform_indices = @transform_0, window_bounds = array<i64: 8192, 128>}, {pipeline_mode = #tpu.pipeline_mode<synchronous>, transform_indices = @transform_1, window_bounds = array<i64: 416, 128>}, {pipeline_mode = #tpu.pipeline_mode<synchronous>, transform_indices = @transform_2, window_bounds = array<i64: 1, 128>}, {pipeline_mode = #tpu.pipeline_mode<synchronous>, transform_indices = @transform_3, window_bounds = array<i64: 128, 64>}, {pipeline_mode = #tpu.pipeline_mode<synchronous>, transform_indices = @transform_4, window_bounds = array<i64: 1, 64>}, {pipeline_mode = #tpu.pipeline_mode<synchronous>, transform_indices = @transform_5, window_bounds = array<i64: 64, 32>}, {pipeline_mode = #tpu.pipeline_mode<synchronous>, transform_indices = @transform_6, window_bounds = array<i64: 1, 32>}, {pipeline_mode = #tpu.pipeline_mode<synchronous>, transform_indices = @transform_7, window_bounds = array<i64: 1, 416>}, {pipeline_mode = #tpu.pipeline_mode<synchronous>, transform_indices = @transform_8, window_bounds = array<i64: 1, 32>}, {pipeline_mode = #tpu.pipeline_mode<synchronous>, transform_indices = @transform_9, window_bounds = array<i64: 1, 1>}, {transform_indices = @transform_10, window_bounds = array<i64: 2048, 1>}]} {
    %get3A = arith.constant 0 : index
    %get3A_0 = arith.constant 0 : index
    %get3A_1 = vector.load %arg1[%get3A, %get3A_0] : memref<8192x128xf32, #tpu.memory_space<vmem>>, vector<8192x128xf32>
    %reshape3A = vector.shape_cast %get3A_1 : vector<8192x128xf32> to vector<2048x512xf32>
    %slice3A = vector.extract_strided_slice %reshape3A {offsets = [0, 0], sizes = [2048, 416], strides = [1, 1]} : vector<2048x512xf32> to vector<2048x416xf32>
    %get3A_2 = arith.constant 0 : index
    %get3A_3 = arith.constant 0 : index
    %get3A_4 = vector.load %arg2[%get3A_2, %get3A_3] : memref<416x128xf32, #tpu.memory_space<vmem>>, vector<416x128xf32>
    %dot_general3A = arith.constant dense<0.000000e+00> : vector<2048x128xf32>
    %dot_general3A_5 = tpu.matmul %slice3A, %get3A_4, %dot_general3A {dimension_numbers = #tpu.dot_dimension_numbers<[1], [0], [0], [1], [0, 0, 1, 1], [], []>, precision = #tpu.contract_precision<fp32>, transpose_lhs_hint = false} : vector<2048x416xf32>, vector<416x128xf32>, vector<2048x128xf32> -> vector<2048x128xf32>
    %get3A_6 = arith.constant 0 : index
    %get3A_7 = arith.constant 0 : index
    %get3A_8 = vector.load %arg3[%get3A_6, %get3A_7] : memref<1x128xf32, #tpu.memory_space<vmem>>, vector<1x128xf32>
    %add3A = vector.broadcast %get3A_8 : vector<1x128xf32> to vector<2048x128xf32>
    %add3A_9 = arith.addf %dot_general3A_5, %add3A : vector<2048x128xf32>
    %max3A = arith.constant 0.000000e+00 : f32
    %max3A_10 = vector.broadcast %max3A : f32 to vector<2048x128xf32>
    %max3A_11 = arith.maximumf %add3A_9, %max3A_10 : vector<2048x128xf32>
    %get3A_12 = arith.constant 0 : index
    %get3A_13 = arith.constant 0 : index
    %get3A_14 = vector.load %arg4[%get3A_12, %get3A_13] : memref<128x64xf32, #tpu.memory_space<vmem>>, vector<128x64xf32>
    %dot_general3A_15 = arith.constant dense<0.000000e+00> : vector<2048x64xf32>
    %dot_general3A_16 = tpu.matmul %max3A_11, %get3A_14, %dot_general3A_15 {dimension_numbers = #tpu.dot_dimension_numbers<[1], [0], [0], [1], [0, 0, 1, 1], [], []>, precision = #tpu.contract_precision<fp32>, transpose_lhs_hint = false} : vector<2048x128xf32>, vector<128x64xf32>, vector<2048x64xf32> -> vector<2048x64xf32>
    %get3A_17 = arith.constant 0 : index
    %get3A_18 = arith.constant 0 : index
    %get3A_19 = vector.load %arg5[%get3A_17, %get3A_18] : memref<1x64xf32, #tpu.memory_space<vmem>>, vector<1x64xf32>
    %add3A_20 = vector.broadcast %get3A_19 : vector<1x64xf32> to vector<2048x64xf32>
    %add3A_21 = arith.addf %dot_general3A_16, %add3A_20 : vector<2048x64xf32>
    %max3A_22 = arith.constant 0.000000e+00 : f32
    %max3A_23 = vector.broadcast %max3A_22 : f32 to vector<2048x64xf32>
    %max3A_24 = arith.maximumf %add3A_21, %max3A_23 : vector<2048x64xf32>
    %get3A_25 = arith.constant 0 : index
    %get3A_26 = arith.constant 0 : index
    %get3A_27 = vector.load %arg6[%get3A_25, %get3A_26] : memref<64x32xf32, #tpu.memory_space<vmem>>, vector<64x32xf32>
    %dot_general3A_28 = arith.constant dense<0.000000e+00> : vector<2048x32xf32>
    %dot_general3A_29 = tpu.matmul %max3A_24, %get3A_27, %dot_general3A_28 {dimension_numbers = #tpu.dot_dimension_numbers<[1], [0], [0], [1], [0, 0, 1, 1], [], []>, precision = #tpu.contract_precision<fp32>, transpose_lhs_hint = false} : vector<2048x64xf32>, vector<64x32xf32>, vector<2048x32xf32> -> vector<2048x32xf32>
    %get3A_30 = arith.constant 0 : index
    %get3A_31 = arith.constant 0 : index
    %get3A_32 = vector.load %arg7[%get3A_30, %get3A_31] : memref<1x32xf32, #tpu.memory_space<vmem>>, vector<1x32xf32>
    %add3A_33 = vector.broadcast %get3A_32 : vector<1x32xf32> to vector<2048x32xf32>
    %add3A_34 = arith.addf %dot_general3A_29, %add3A_33 : vector<2048x32xf32>
    %max3A_35 = arith.constant 0.000000e+00 : f32
    %max3A_36 = vector.broadcast %max3A_35 : f32 to vector<2048x32xf32>
    %max3A_37 = arith.maximumf %add3A_34, %max3A_36 : vector<2048x32xf32>
    %get3A_38 = arith.constant 0 : index
    %get3A_39 = arith.constant 0 : index
    %get3A_40 = vector.load %arg8[%get3A_38, %get3A_39] : memref<1x416xf32, #tpu.memory_space<vmem>>, vector<1x416xf32>
    %mul3A = vector.broadcast %get3A_40 : vector<1x416xf32> to vector<2048x416xf32>
    %mul3A_41 = arith.mulf %slice3A, %mul3A : vector<2048x416xf32>
    %reduce_sum3A = arith.constant dense<0.000000e+00> : vector<2048xf32>
    %reduce_sum3A_42 = vector.multi_reduction <add>, %mul3A_41, %reduce_sum3A [1] : vector<2048x416xf32> to vector<2048xf32>
    %broadcast_in_dim3A = vector.shape_cast %reduce_sum3A_42 : vector<2048xf32> to vector<2048x1xf32>
    %get3A_43 = arith.constant 0 : index
    %get3A_44 = arith.constant 0 : index
    %get3A_45 = vector.load %arg9[%get3A_43, %get3A_44] : memref<1x32xf32, #tpu.memory_space<vmem>>, vector<1x32xf32>
    %mul3A_46 = vector.broadcast %get3A_45 : vector<1x32xf32> to vector<2048x32xf32>
    %mul3A_47 = arith.mulf %max3A_37, %mul3A_46 : vector<2048x32xf32>
    %reduce_sum3A_48 = arith.constant dense<0.000000e+00> : vector<2048xf32>
    %reduce_sum3A_49 = vector.multi_reduction <add>, %mul3A_47, %reduce_sum3A_48 [1] : vector<2048x32xf32> to vector<2048xf32>
    %broadcast_in_dim3A_50 = vector.shape_cast %reduce_sum3A_49 : vector<2048xf32> to vector<2048x1xf32>
    %add3A_51 = arith.addf %broadcast_in_dim3A, %broadcast_in_dim3A_50 : vector<2048x1xf32>
    %get3A_52 = arith.constant 0 : index
    %get3A_53 = arith.constant 0 : index
    %get3A_54 = vector.load %arg10[%get3A_52, %get3A_53] : memref<1x1xf32, #tpu.memory_space<vmem>>, vector<1x1xf32>
    %add3A_55 = vector.broadcast %get3A_54 : vector<1x1xf32> to vector<2048x1xf32>
    %add3A_56 = arith.addf %add3A_51, %add3A_55 : vector<2048x1xf32>
    %logistic3A = arith.negf %add3A_56 : vector<2048x1xf32>
    %logistic3A_57 = math.exp %logistic3A : vector<2048x1xf32>
    %logistic3A_58 = arith.constant 1.000000e+00 : f32
    %logistic3A_59 = vector.broadcast %logistic3A_58 : f32 to vector<2048x1xf32>
    %logistic3A_60 = arith.addf %logistic3A_59, %logistic3A_57 : vector<2048x1xf32>
    %logistic3A_61 = arith.divf %logistic3A_59, %logistic3A_60 : vector<2048x1xf32>
    %swap3A = arith.constant 0 : index
    %swap3A_62 = arith.constant 0 : index
    %swap3A_63 = vector.load %arg11[%swap3A, %swap3A_62] : memref<2048x1xf32, #tpu.memory_space<vmem>>, vector<2048x1xf32>
    tpu.vector_store %arg11[%swap3A, %swap3A_62], %logistic3A_61 {strides = array<i32>} : memref<2048x1xf32, #tpu.memory_space<vmem>>, vector<2048x1xf32>,
    return
  }
  func.func @transform_0(%arg0: i32) -> (i32, i32) {
    %c0_i32 = arith.constant 0 : i32
    %c0_i32_0 = arith.constant 0 : i32
    return %arg0, %c0_i32 : i32, i32
  }
  func.func @transform_1(%arg0: i32) -> (i32, i32) {
    %c0_i32 = arith.constant 0 : i32
    %c0_i32_0 = arith.constant 0 : i32
    %c0_i32_1 = arith.constant 0 : i32
    return %c0_i32, %c0_i32_0 : i32, i32
  }
  func.func @transform_2(%arg0: i32) -> (i32, i32) {
    %c0_i32 = arith.constant 0 : i32
    %c0_i32_0 = arith.constant 0 : i32
    %c0_i32_1 = arith.constant 0 : i32
    return %c0_i32, %c0_i32_0 : i32, i32
  }
  func.func @transform_3(%arg0: i32) -> (i32, i32) {
    %c0_i32 = arith.constant 0 : i32
    %c0_i32_0 = arith.constant 0 : i32
    %c0_i32_1 = arith.constant 0 : i32
    return %c0_i32, %c0_i32_0 : i32, i32
  }
  func.func @transform_4(%arg0: i32) -> (i32, i32) {
    %c0_i32 = arith.constant 0 : i32
    %c0_i32_0 = arith.constant 0 : i32
    %c0_i32_1 = arith.constant 0 : i32
    return %c0_i32, %c0_i32_0 : i32, i32
  }
  func.func @transform_5(%arg0: i32) -> (i32, i32) {
    %c0_i32 = arith.constant 0 : i32
    %c0_i32_0 = arith.constant 0 : i32
    %c0_i32_1 = arith.constant 0 : i32
    return %c0_i32, %c0_i32_0 : i32, i32
  }
  func.func @transform_6(%arg0: i32) -> (i32, i32) {
    %c0_i32 = arith.constant 0 : i32
    %c0_i32_0 = arith.constant 0 : i32
    %c0_i32_1 = arith.constant 0 : i32
    return %c0_i32, %c0_i32_0 : i32, i32
  }
  func.func @transform_7(%arg0: i32) -> (i32, i32) {
    %c0_i32 = arith.constant 0 : i32
    %c0_i32_0 = arith.constant 0 : i32
    %c0_i32_1 = arith.constant 0 : i32
    return %c0_i32, %c0_i32_0 : i32, i32
  }
  func.func @transform_8(%arg0: i32) -> (i32, i32) {
    %c0_i32 = arith.constant 0 : i32
    %c0_i32_0 = arith.constant 0 : i32
    %c0_i32_1 = arith.constant 0 : i32
    return %c0_i32, %c0_i32_0 : i32, i32
  }
  func.func @transform_9(%arg0: i32) -> (i32, i32) {
    %c0_i32 = arith.constant 0 : i32
    %c0_i32_0 = arith.constant 0 : i32
    %c0_i32_1 = arith.constant 0 : i32
    return %c0_i32, %c0_i32_0 : i32, i32
  }
  func.func @transform_10(%arg0: i32) -> (i32, i32) {
    %c0_i32 = arith.constant 0 : i32
    %c0_i32_0 = arith.constant 0 : i32
    return %arg0, %c0_i32 : i32, i32
  }
}

</mosaic_0001>

<sc_bundles>
// kernel: kernel.4.cloned.1.call-start
scs
__scs_entry_jumppad:
0x0: {  	(pc) =	sbr.rel $0x88, $3  }
0x1: {  	(tag) =	ssettag $0x0;
	lr =	simm.s32 $0x1  }
0x2: {  	[smem:$0x3F97] =	sst lr;
	_ =	strace $0xD0000000  }
0x3: {  	_ = 	snop  }
0x4: {  	_ = 	snop  }
0x5: {  	_ = 	snop  }
0x6: {  	_ = 	snop  }
0x7: {  	_ = 	snop  }
__scs_overlays_trampoline_lowered:
0x8: {  	[smem:$0x3FA6] =	sst s0  }
0x9: {  	[smem:$0x3FA7] =	sst s1  }
0xa: {  	[smem:$0x3FA8] =	sst s2  }
0xb: {  	[smem:$0x3FA9] =	sst s3  }
0xc: {  	[smem:$0x3FAA] =	sst s4  }
0xd: {  	[smem:$0x3FAB] =	sst s5  }
0xe: {  	[smem:$0x3FAC] =	sst s6  }
0xf: {  	[smem:$0x3FAD] =	sst s7  }
0x10: {  	[smem:$0x3FAE] =	sst s8  }
0x11: {  	[smem:$0x3FAF] =	sst s9;
	s0 =	simm.s32 @!p0 $0x0  }
0x12: {  	s1 =	sld [smem:$0x3F95];
	s0 =	simm.s32 @p0 $0x1  }
0x13: {  	[smem:$0x3FB0] =	sst s0;
	s0 =	simm.s32 @!p1 $0x0  }
0x14: {  	s2 =	sld [smem:$0x3F94];
	s0 =	simm.s32 @p1 $0x1  }
0x15: {  	[smem:$0x3FB1] =	sst s0;
	s0 =	simm.s32 @!p2 $0x0  }
0x16: {  	s3 =	sld [smem:$0x3FDB];
	s0 =	simm.s32 @p2 $0x1  }
0x17: {  	s4 =	simm.s32 $0x1BF5;
	[smem:$0x3FB3] =	sst s0  }
0x18: {  	s0 =	sld [smem:$0x3F96];
	_ =	swait.ge [sflag:s4], $0x0  }
0x19: {  	s7 =	sld [smem:$0x3F97]  }
0x1a: {  	s8 =	sadd.s32 $0xFFFFE003, lr  }
0x1b: {  	s9 =	sadd.s32 $0xFFFFFEF7, lr;
	s5 =	simm.s32 $0xFFFFFFFF;
	p2 =	slt.u32 s8, $0xFFFFF086  }
0x1c: {  	p1 =	slt.u32 s9, $0xF7A;
	s5 =	simm.s32 @!p2 $0x0  }
0x1d: {  	s5 =	simm.s32 @p1 $0x1;
	p0 =	seq.s32 s7, s2  }
0x1e: {  	s7 =	smul.u32 @!p0 $0xF7A, s2;
	p2 =	seq.s32 @!p0 s5, $0x0  }
0x1f: {  	s9 =	smul.u32 $0xF7A, s1;
	s8 =	simm.s32 @!p0 $0x1BF5;
	p2 =	por !p2, p0  }
0x20: {  	[sflag:s8] =	ssyncset.s32 @!p0 $0xFFFFF086;
	s6 =	sadd.s32 @!p0 s3, s7;
	s7 =	simm.s32 @!p0 $0x108  }
0x21: {  	s3 =	sadd.s32 s3, s9;
	s6 =	sadd.s32 @!p0 $0x88, s6;
	s7 =	simm.s32 @p2 $0x1082  }
0x22: {  	[simem:s7], [sflag:s8] =	dma.local @!p0 [hbm:s6], $0xF7A  }
0x23: {  	s9 =	sor.u32 $0xD0000000, s2;
	s6 =	simm.s32 $0x108;
	_ =	swait.ge @!p0 [sflag:s8], $0x0  }
0x24: {  	s3 =	sadd.s32 $0x88, s3;
	s6 =	simm.s32 @!p1 $0x1082;
	[sflag:s4] =	ssyncset.s32 $0xFFFFF086  }
0x25: {  	[simem:s6], [sflag:s4] =	dma.local [hbm:s3], $0xF7A  }
0x26: {  	[smem:$0x3F97] =	sst s1;
	(tag) =	ssettag s2;
	_ =	strace s9  }
0x27: {  	s1 =	sld [smem:$0x3FA7]  }
0x28: {  	s2 =	sld [smem:$0x3FA8]  }
0x29: {  	s4 =	sld [smem:$0x3FAA]  }
0x2a: {  	p0 =	seq.s32 s5, $0x0;
	s5 =	sld [smem:$0x3FAB]  }
0x2b: {  	s6 =	sld [smem:$0x3FAC]  }
0x2c: {  	s7 =	sld [smem:$0x3FAD]  }
0x2d: {  	s3 =	simm.s32 $0x108;
	s8 =	sld [smem:$0x3FAE]  }
0x2e: {  	s3 =	simm.s32 @!p0 $0x1082;
	s9 =	sld [smem:$0x3FAF]  }
0x2f: {  	lr =	sadd.s32 s0, s3;
	s0 =	sld [smem:$0x3FA6]  }
0x30: {  	s3 =	sld [smem:$0x3FA9]  }
0x31: {  	[smem:$0x3FB2] =	sst s10  }
0x32: {  	s10 =	sld [smem:$0x3FB0];
	_ =	sdelay $0x3  }
0x33: {  	p0 =	seq.s32 s10, $0x1;
	s10 =	sld [smem:$0x3FB2];
	_ =	sdelay $0x3  }
0x34: {  	[smem:$0x3FB2] =	sst s10  }
0x35: {  	s10 =	sld [smem:$0x3FB1];
	_ =	sdelay $0x3  }
0x36: {  	p1 =	seq.s32 s10, $0x1;
	s10 =	sld [smem:$0x3FB2];
	_ =	sdelay $0x3  }
0x37: {  	[smem:$0x3FB2] =	sst s10  }
0x38: {  	s10 =	sld [smem:$0x3FB3]  }
0x39: {  	_ = 	snop;
	(pc) =	sbr.ind lr, $3  }
0x3a: {  	_ = 	snop  }
0x3b: {  	_ = 	snop  }
0x3c: {  	p2 =	seq.s32 s10, $0x1;
	s10 =	sld [smem:$0x3FB2]  }
0x3d: {  	_ =	shalt  }
0x3e: {  	_ =	shalt  }
0x3f: {  	_ =	shalt  }
0x40: {  	_ =	shalt  }
0x41: {  	_ =	shalt  }
0x42: {  	_ =	shalt  }
0x43: {  	_ =	shalt  }
0x44: {  	_ =	shalt  }
0x45: {  	_ =	shalt  }
0x46: {  	_ =	shalt  }
0x47: {  	_ =	shalt  }
0x48: {  	_ =	shalt  }
0x49: {  	_ =	shalt  }
0x4a: {  	_ =	shalt  }
0x4b: {  	_ =	shalt  }
0x4c: {  	_ =	shalt  }
0x4d: {  	_ =	shalt  }
0x4e: {  	_ =	shalt  }
0x4f: {  	_ =	shalt  }
0x50: {  	_ =	shalt  }
0x51: {  	_ =	shalt  }
0x52: {  	_ =	shalt  }
0x53: {  	_ =	shalt  }
0x54: {  	_ =	shalt  }
0x55: {  	_ =	shalt  }
0x56: {  	_ =	shalt  }
0x57: {  	_ =	shalt  }
0x58: {  	_ =	shalt  }
0x59: {  	_ =	shalt  }
0x5a: {  	_ =	shalt  }
0x5b: {  	_ =	shalt  }
0x5c: {  	_ =	shalt  }
0x5d: {  	_ =	shalt  }
0x5e: {  	_ =	shalt  }
0x5f: {  	_ =	shalt  }
0x60: {  	_ =	shalt  }
0x61: {  	_ =	shalt  }
0x62: {  	_ =	shalt  }
0x63: {  	_ =	shalt  }
0x64: {  	_ =	shalt  }
0x65: {  	_ =	shalt  }
0x66: {  	_ =	shalt  }
0x67: {  	_ =	shalt  }
0x68: {  	_ =	shalt  }
0x69: {  	_ =	shalt  }
0x6a: {  	_ =	shalt  }
0x6b: {  	_ =	shalt  }
0x6c: {  	_ =	shalt  }
0x6d: {  	_ =	shalt  }
0x6e: {  	_ =	shalt  }
0x6f: {  	_ =	shalt  }
0x70: {  	_ =	shalt  }
0x71: {  	_ =	shalt  }
0x72: {  	_ =	shalt  }
0x73: {  	_ =	shalt  }
0x74: {  	_ =	shalt  }
0x75: {  	_ =	shalt  }
0x76: {  	_ =	shalt  }
0x77: {  	_ =	shalt  }
0x78: {  	_ =	shalt  }
0x79: {  	_ =	shalt  }
0x7a: {  	_ =	shalt  }
0x7b: {  	_ =	shalt  }
0x7c: {  	_ =	shalt  }
0x7d: {  	_ =	shalt  }
0x7e: {  	_ =	shalt  }
0x7f: {  	_ =	shalt  }
0x80: {  	_ =	shalt  }
0x81: {  	_ =	shalt  }
0x82: {  	_ =	shalt  }
0x83: {  	_ =	shalt  }
0x84: {  	_ =	shalt  }
0x85: {  	_ =	shalt  }
0x86: {  	_ =	shalt  }
0x87: {  	_ =	shalt  }
.Lfunc_end0:
.L_simem_size_0:
called_computation_lowered:
.L_overlay_start_0:
0x88: {  	s2 =	sld [smem:$0x3FD9]  }
0x89: {  	s3 =	sld [smem:$0x3FFE];
	_ =	sdelay $0x1  }
0x8a: {  	s1 =	srdreg.scid  }
0x8b: {  	s0 =	sand.u32 $0x1, s1  }
0x8c: {  	s16 =	sshll.u32 s0, $0xA;
	s2 =	sadd.s32 s3, s2  }
0x8d: {  	s2 =	sadd.s32 s2, s16  }
0x8e: {  	[smem:$0x3FBE] =	sst s2  }
0x8f: {  	_ = 	snop  }
0x90: {  	(tm) =	ssettm $0x1  }
0x91: {  	s17 =	sld [smem:$0x3FFB];
	_ =	sdelay $0x3  }
0x92: {  	_ =	strace s17  }
0x93: {  	s2 =	sld [smem:$0x3FFC];
	_ =	sdelay $0x3  }
0x94: {  	_ =	strace s2  }
0x95: {  	s2 =	sld [smem:$0x3FFD];
	_ =	sdelay $0x3  }
0x96: {  	_ =	strace s2  }
0x97: {  	_ =	strace $0x8FFFFFFF  }
0x98: {  	s18 =	sld [smem:$0x3FDB];
	_ =	sdelay $0x1  }
0x99: {  	s19 =	simm.s32 $_scs_section_size  }
0x9a: {  	s4 =	simm.s32 $_size__tile_overlayer_lowered;
	s5 =	simm.s32 $_tile_overlayer_lowered  }
0x9b: {  	s22 =	simm.s32 $0x1BFF;
	s21 =	sshll.u32 s5, $0x1;
	s2 =	sadd.s32 s19, s18  }
0x9c: {  	s6 =	simm.s32 $0x0;
	s20 =	sshll.u32 s4, $0x1;
	s4 =	sadd.s32 s21, s2  }
0x9d: {  	[timem:s6], [sflag:s22] =	dma.local [hbm:s4], s20  }
0x9e: {  	_ =	swait.ge [sflag:s22], s20  }
0x9f: {  	s3 =	ssub.s32 $0x0, s20;
	[sflag:s22] =	ssyncset.done $0x0  }
0xa0: {  	[sflag:s22] =	ssyncadd.s32 s3;
	_ =	sdelay $0x1  }
0xa1: {  	s23 =	simm.s32 $0x1B8B  }
0xa2: {  	_ =	swait.ge [sflag:s23], $0x1  }
0xa3: {  	[sflag:s23] =	ssyncset.done $0x0  }
0xa4: {  	s25 =	simm.s32 $0x1B8E;
	s24 =	sld [smem:$0x3FFE];
	[sflag:s23] =	ssyncadd.s32 $0xFFFFFFFF  }
0xa5: {  	s26 =	simm.s32 $execute0_lowered;
	[smem:$0x3FD2] =	sst s25  }
0xa6: {  	s4 =	sshll.u32 s26, $0x1;
	_ =	strace $0x80000046;
	[dreg:$0x1] =	wrdreg $0xFFFFFFFF  }
0xa7: {  	s28 =	simm.s32 $_size_execute0_lowered;
	s2 =	sadd.s32 s2, s4;
	[dreg:$0x0] =	wrdreg $0x0  }
0xa8: {  	s4 =	sshll.u32 s28, $0x1;
	[dreg:$0x2] =	wrdreg s2  }
0xa9: {  	[dreg:$0x3] =	wrdreg s4  }
0xaa: {  	[dreg:$0x4] =	wrdreg $0xC0  }
0xab: {  	_ =	task [dreg:s6], $0x5FFFF  }
0xac: {  	[dreg:$0x1] =	wrdreg $0xFFFFFFFF  }
0xad: {  	[dreg:$0x0] =	wrdreg $0x60  }
0xae: {  	[dreg:$0x2] =	wrdreg s24  }
0xaf: {  	[dreg:$0x3] =	wrdreg $0x9  }
0xb0: {  	_ =	task.clear_ibuf [dreg:s6], $0x4FFFF;
	_ =	strace $0x90000046  }
0xb1: {  	s29 =	simm.s32 $0x9;
	_ =	strace $0x80000048  }
0xb2: {  	_ =	swait.ge [sflag:s29], $0x1  }
0xb3: {  	[sflag:s29] =	ssyncadd.s32 $0xFFFFFFFF  }
0xb4: {  	_ =	strace $0x90000048  }
0xb5: {  	_ =	sfence  }
0xb6: {  	s30 =	sld [smem:$0x0];
	_ =	sdelay $0x2  }
0xb7: {  	s31 =	sshll.u32 s1, $0xD;
	s1 =	sshrl.u32 s1, $0x2  }
0xb8: {  	s3 =	sand.u32 $0x4000, s31;
	s1 =	sadd.s32 s1, s30  }
0xb9: {  	s0 =	sor.u32 s3, s0;
	s1 =	sshll.u32 s1, $0x11  }
0xba: {  	s0 =	sor.u32 s1, s0  }
0xbb: {  	s0 =	sadd.s32 $0x8F2B, s0  }
0xbc: {  	[sflag:s0] =	ssyncadd.remote.s32 $0x1  }
0xbd: {  	_ =	sfence.sel $0xFFFF  }
0xbe: {  	[dreg:$0x0] =	wrdreg $0xFFFFFFFF;
	(pc) =	sbr.abs _section_cstart, $3  }
0xbf: {  	[dreg:$0x1] =	wrdreg $0xFFFFFFFF  }
0xc0: {  	_ =	task.clear_ibuf [dreg:s6], $0x2FFFF;
	_ =	strace $0x9FFFFFFF  }
0xc1: {  	(tm) =	ssettm $0x7FFFFFFF  }
tec
execute0_lowered:
.L_overlay_start_1:
0x0: {  	(tag) =	ssettag $0x1  }
0x1: {  	s1 =	srdreg.scid;
	s0 =	stileid.u32  }
0x2: {  	s25 =	sand.u32 $0x1, s1;
	s31 =	sshll.u32 s0, $0x1  }
0x3: {  	s1 =	sor.u32 s25, s31  }
0x4: {  	s3 =	smul.u32 $0x3400, s1;
	_ =	sdelay $0x1  }
0x5: {  	s11 =	rddreg [dreg:$0x0];
	s2 =	simm.s32 $0x0;
	s3 =	sshrl.u32 s3, $0x3  }
0x6: {  	s4 =	simm.s32 $0x3;
	[smem:$0x7FF] =	sst s2;
	s24 =	sadd.s32 s3, s11  }
0x7: {  	s1 =	rddreg [dreg:$0x1];
	_ =	strace $0x80000047;
	s3 =	sadd.s32 $0x1800, s24  }
0x8: {  	[tilespmem:s2], [sflag:$0x3] =	stream.linear.gather [hbm4b:s3+s2], $0x3400, $0x38;
	[tilespmem:$0xA280] =	vst v63  }
0x9: {  	_ =	swait.ge [sflag:s4], $0x3400  }
0xa: {  	[sflag:s4] =	ssyncset.done $0x0  }
0xb: {  	s6 =	simm.s32 $0x3400;
	s5 =	sadd.s32 $0xE800, s24;
	[sflag:s4] =	ssyncadd.s32 $0xFFFFCC00  }
0xc: {  	[tilespmem:s6], [sflag:$0x3] =	stream.linear.gather [hbm4b:s5+s2], $0x680, $0x38;
	[tilespmem:$0xA280] =	vst v63  }
0xd: {  	_ =	swait.ge [sflag:s4], $0x680  }
0xe: {  	s8 =	simm.s32 $0x680;
	s9 =	simm.s32 $0x3A80;
	[sflag:s4] =	ssyncset.done $0x0  }
0xf: {  	s10 =	simm.s32 $0x1;
	s7 =	sadd.s32 $0x27ADC00, s11;
	[sflag:s4] =	ssyncadd.s32 $0xFFFFF980  }
0x10: {  	[tilespmem:s9], [sflag:$0x1] =	stream.indirect.gather [hbm4b:s7+s8], $0x10, s2, s8, $0xb8;
	[tilespmem:$0xA280] =	vst v63  }
0x11: {  	_ =	swait.ge [sflag:s10], $0x6800  }
0x12: {  	[sflag:s10] =	ssyncset.done $0x0  }
0x13: {  	s12 =	sadd.s32 $0x1B800, s11;
	s11 =	simm.s32 $0x2;
	[sflag:s10] =	ssyncadd.s32 $0xFFFF9800  }
0x14: {  	[hbm4b:s12+s8] =	stream.indirect.scatter [tilespmem:s9], [sflag:$0x2], $0x10, s6, s8, $0xb8;
	[tilespmem:$0xA280] =	vst v63  }
0x15: {  	_ =	swait.ge [sflag:s11], $0x6800  }
0x16: {  	[sflag:s11] =	ssyncset.done $0x0  }
0x17: {  	s13 =	sadd.s32 $0xE8D0, s24;
	[sflag:s11] =	ssyncadd.s32 $0xFFFF9800  }
0x18: {  	[tilespmem:s6], [sflag:$0x3] =	stream.linear.gather [hbm4b:s13+s2], $0x680, $0x38;
	[tilespmem:$0xA280] =	vst v63  }
0x19: {  	_ =	swait.ge [sflag:s4], $0x680  }
0x1a: {  	[sflag:s4] =	ssyncset.done $0x0  }
0x1b: {  	[sflag:s4] =	ssyncadd.s32 $0xFFFFF980  }
0x1c: {  	[tilespmem:s9], [sflag:$0x1] =	stream.indirect.gather [hbm4b:s7+s8], $0x10, s8, s8, $0xb8;
	[tilespmem:$0xA280] =	vst v63  }
0x1d: {  	_ =	swait.ge [sflag:s10], $0x6800  }
0x1e: {  	[sflag:s10] =	ssyncset.done $0x0  }
0x1f: {  	[sflag:s10] =	ssyncadd.s32 $0xFFFF9800  }
0x20: {  	[hbm4b:s12+s8] =	stream.indirect.scatter [tilespmem:s9], [sflag:$0x2], $0x10, s6, s8, $0xb8;
	[tilespmem:$0xA280] =	vst v63  }
0x21: {  	_ =	swait.ge [sflag:s11], $0x6800  }
0x22: {  	[sflag:s11] =	ssyncset.done $0x0  }
0x23: {  	s14 =	sadd.s32 $0xE9A0, s24;
	[sflag:s11] =	ssyncadd.s32 $0xFFFF9800  }
0x24: {  	[tilespmem:s6], [sflag:$0x3] =	stream.linear.gather [hbm4b:s14+s2], $0x680, $0x38;
	[tilespmem:$0xA280] =	vst v63  }
0x25: {  	_ =	swait.ge [sflag:s4], $0x680  }
0x26: {  	[sflag:s4] =	ssyncset.done $0x0  }
0x27: {  	s15 =	simm.s32 $0xD00;
	[sflag:s4] =	ssyncadd.s32 $0xFFFFF980  }
0x28: {  	[tilespmem:s9], [sflag:$0x1] =	stream.indirect.gather [hbm4b:s7+s8], $0x10, s15, s8, $0xb8;
	[tilespmem:$0xA280] =	vst v63  }
0x29: {  	_ =	swait.ge [sflag:s10], $0x6800  }
0x2a: {  	[sflag:s10] =	ssyncset.done $0x0  }
0x2b: {  	[sflag:s10] =	ssyncadd.s32 $0xFFFF9800  }
0x2c: {  	[hbm4b:s12+s8] =	stream.indirect.scatter [tilespmem:s9], [sflag:$0x2], $0x10, s6, s8, $0xb8;
	[tilespmem:$0xA280] =	vst v63  }
0x2d: {  	_ =	swait.ge [sflag:s11], $0x6800  }
0x2e: {  	[sflag:s11] =	ssyncset.done $0x0  }
0x2f: {  	s16 =	sadd.s32 $0xEA70, s24;
	[sflag:s11] =	ssyncadd.s32 $0xFFFF9800  }
0x30: {  	[tilespmem:s6], [sflag:$0x3] =	stream.linear.gather [hbm4b:s16+s2], $0x680, $0x38;
	[tilespmem:$0xA280] =	vst v63  }
0x31: {  	_ =	swait.ge [sflag:s4], $0x680  }
0x32: {  	[sflag:s4] =	ssyncset.done $0x0  }
0x33: {  	s17 =	simm.s32 $0x1380;
	[sflag:s4] =	ssyncadd.s32 $0xFFFFF980  }
0x34: {  	[tilespmem:s9], [sflag:$0x1] =	stream.indirect.gather [hbm4b:s7+s8], $0x10, s17, s8, $0xb8;
	[tilespmem:$0xA280] =	vst v63  }
0x35: {  	_ =	swait.ge [sflag:s10], $0x6800  }
0x36: {  	[sflag:s10] =	ssyncset.done $0x0  }
0x37: {  	[sflag:s10] =	ssyncadd.s32 $0xFFFF9800  }
0x38: {  	[hbm4b:s12+s8] =	stream.indirect.scatter [tilespmem:s9], [sflag:$0x2], $0x10, s6, s8, $0xb8;
	[tilespmem:$0xA280] =	vst v63  }
0x39: {  	_ =	swait.ge [sflag:s11], $0x6800  }
0x3a: {  	[sflag:s11] =	ssyncset.done $0x0  }
0x3b: {  	s18 =	sadd.s32 $0xEB40, s24;
	[sflag:s11] =	ssyncadd.s32 $0xFFFF9800  }
0x3c: {  	[tilespmem:s6], [sflag:$0x3] =	stream.linear.gather [hbm4b:s18+s2], $0x680, $0x38;
	[tilespmem:$0xA280] =	vst v63  }
0x3d: {  	_ =	swait.ge [sflag:s4], $0x680  }
0x3e: {  	[sflag:s4] =	ssyncset.done $0x0  }
0x3f: {  	s19 =	simm.s32 $0x1A00;
	[sflag:s4] =	ssyncadd.s32 $0xFFFFF980  }
0x40: {  	[tilespmem:s9], [sflag:$0x1] =	stream.indirect.gather [hbm4b:s7+s8], $0x10, s19, s8, $0xb8;
	[tilespmem:$0xA280] =	vst v63  }
0x41: {  	_ =	swait.ge [sflag:s10], $0x6800  }
0x42: {  	[sflag:s10] =	ssyncset.done $0x0  }
0x43: {  	[sflag:s10] =	ssyncadd.s32 $0xFFFF9800  }
0x44: {  	[hbm4b:s12+s8] =	stream.indirect.scatter [tilespmem:s9], [sflag:$0x2], $0x10, s6, s8, $0xb8;
	[tilespmem:$0xA280] =	vst v63  }
0x45: {  	_ =	swait.ge [sflag:s11], $0x6800  }
0x46: {  	[sflag:s11] =	ssyncset.done $0x0  }
0x47: {  	s20 =	sadd.s32 $0xEC10, s24;
	[sflag:s11] =	ssyncadd.s32 $0xFFFF9800  }
0x48: {  	[tilespmem:s6], [sflag:$0x3] =	stream.linear.gather [hbm4b:s20+s2], $0x680, $0x38;
	[tilespmem:$0xA280] =	vst v63  }
0x49: {  	_ =	swait.ge [sflag:s4], $0x680  }
0x4a: {  	[sflag:s4] =	ssyncset.done $0x0  }
0x4b: {  	s21 =	simm.s32 $0x2080;
	[sflag:s4] =	ssyncadd.s32 $0xFFFFF980  }
0x4c: {  	[tilespmem:s9], [sflag:$0x1] =	stream.indirect.gather [hbm4b:s7+s8], $0x10, s21, s8, $0xb8;
	[tilespmem:$0xA280] =	vst v63  }
0x4d: {  	_ =	swait.ge [sflag:s10], $0x6800  }
0x4e: {  	[sflag:s10] =	ssyncset.done $0x0  }
0x4f: {  	[sflag:s10] =	ssyncadd.s32 $0xFFFF9800  }
0x50: {  	[hbm4b:s12+s8] =	stream.indirect.scatter [tilespmem:s9], [sflag:$0x2], $0x10, s6, s8, $0xb8;
	[tilespmem:$0xA280] =	vst v63  }
0x51: {  	_ =	swait.ge [sflag:s11], $0x6800  }
0x52: {  	[sflag:s11] =	ssyncset.done $0x0  }
0x53: {  	s22 =	sadd.s32 $0xECE0, s24;
	[sflag:s11] =	ssyncadd.s32 $0xFFFF9800  }
0x54: {  	[tilespmem:s6], [sflag:$0x3] =	stream.linear.gather [hbm4b:s22+s2], $0x680, $0x38;
	[tilespmem:$0xA280] =	vst v63  }
0x55: {  	_ =	swait.ge [sflag:s4], $0x680  }
0x56: {  	[sflag:s4] =	ssyncset.done $0x0  }
0x57: {  	s23 =	simm.s32 $0x2700;
	[sflag:s4] =	ssyncadd.s32 $0xFFFFF980  }
0x58: {  	[tilespmem:s9], [sflag:$0x1] =	stream.indirect.gather [hbm4b:s7+s8], $0x10, s23, s8, $0xb8;
	[tilespmem:$0xA280] =	vst v63  }
0x59: {  	_ =	swait.ge [sflag:s10], $0x6800  }
0x5a: {  	[sflag:s10] =	ssyncset.done $0x0  }
0x5b: {  	[sflag:s10] =	ssyncadd.s32 $0xFFFF9800  }
0x5c: {  	[hbm4b:s12+s8] =	stream.indirect.scatter [tilespmem:s9], [sflag:$0x2], $0x10, s6, s8, $0xb8;
	[tilespmem:$0xA280] =	vst v63  }
0x5d: {  	_ =	swait.ge [sflag:s11], $0x6800  }
0x5e: {  	[sflag:s11] =	ssyncset.done $0x0  }
0x5f: {  	s26 =	ssub.s32 $0x2, s25;
	s24 =	sadd.s32 $0xEDB0, s24;
	[sflag:s11] =	ssyncadd.s32 $0xFFFF9800  }
0x60: {  	[tilespmem:s6], [sflag:$0x3] =	stream.linear.gather [hbm4b:s24+s2], $0x680, $0x38;
	[tilespmem:$0xA280] =	vst v63  }
0x61: {  	s28 =	sshrl.u32 s26, $0x1;
	_ =	swait.ge [sflag:s4], $0x680  }
0x62: {  	s26 =	ssub.s32 s26, s28;
	[sflag:s4] =	ssyncset.done $0x0  }
0x63: {  	s25 =	simm.s32 $0x2D80;
	s26 =	smax.u32 s26, $0x1;
	[sflag:s4] =	ssyncadd.s32 $0xFFFFF980  }
0x64: {  	[tilespmem:s9], [sflag:$0x1] =	stream.indirect.gather [hbm4b:s7+s8], $0x10, s25, s8, $0xb8;
	[tilespmem:$0xA280] =	vst v63  }
0x65: {  	p0 =	sne.s32 s26, $0x1;
	_ =	swait.ge [sflag:s10], $0x6800  }
.Ltmp0:
0x66: {  	[sflag:s10] =	ssyncset.done $0x0;
	(pc) =	sbr.rel @!p0 .LBB2_2-.Ltmp0, $4  }
0x67: {  	[sflag:s10] =	ssyncadd.s32 $0xFFFF9800  }
0x68: {  	[hbm4b:s12+s8] =	stream.indirect.scatter [tilespmem:s9], [sflag:$0x2], $0x10, s6, s8, $0xb8;
	[tilespmem:$0xA280] =	vst v63  }
0x69: {  	_ =	swait.ge [sflag:s11], $0x6800  }
0x6a: {  	s26 =	sadd.s32 $0xFFFFFFFF, s26;
	[sflag:s11] =	ssyncset.done $0x0  }
.LBB2_1:
0x6b: {  	p0 =	sne.s32 s26, $0x1;
	s26 =	sadd.s32 $0xFFFFFFFF, s26;
	[sflag:s11] =	ssyncadd.s32 $0xFFFF9800  }
0x6c: {  	[tilespmem:s2], [sflag:$0x3] =	stream.linear.gather [hbm4b:s3+s2], $0x3400, $0x38;
	[tilespmem:$0xA280] =	vst v63  }
0x6d: {  	_ =	swait.ge [sflag:s4], $0x3400  }
0x6e: {  	[sflag:s4] =	ssyncset.done $0x0  }
0x6f: {  	[sflag:s4] =	ssyncadd.s32 $0xFFFFCC00  }
0x70: {  	[tilespmem:s6], [sflag:$0x3] =	stream.linear.gather [hbm4b:s5+s2], $0x680, $0x38;
	[tilespmem:$0xA280] =	vst v63  }
0x71: {  	_ =	swait.ge [sflag:s4], $0x680  }
0x72: {  	[sflag:s4] =	ssyncset.done $0x0  }
0x73: {  	[sflag:s4] =	ssyncadd.s32 $0xFFFFF980  }
0x74: {  	[tilespmem:s9], [sflag:$0x1] =	stream.indirect.gather [hbm4b:s7+s8], $0x10, s2, s8, $0xb8;
	[tilespmem:$0xA280] =	vst v63  }
0x75: {  	_ =	swait.ge [sflag:s10], $0x6800  }
0x76: {  	[sflag:s10] =	ssyncset.done $0x0  }
0x77: {  	[sflag:s10] =	ssyncadd.s32 $0xFFFF9800  }
0x78: {  	[hbm4b:s12+s8] =	stream.indirect.scatter [tilespmem:s9], [sflag:$0x2], $0x10, s6, s8, $0xb8;
	[tilespmem:$0xA280] =	vst v63  }
0x79: {  	_ =	swait.ge [sflag:s11], $0x6800  }
0x7a: {  	[sflag:s11] =	ssyncset.done $0x0  }
0x7b: {  	[sflag:s11] =	ssyncadd.s32 $0xFFFF9800  }
0x7c: {  	[tilespmem:s6], [sflag:$0x3] =	stream.linear.gather [hbm4b:s13+s2], $0x680, $0x38;
	[tilespmem:$0xA280] =	vst v63  }
0x7d: {  	_ =	swait.ge [sflag:s4], $0x680  }
0x7e: {  	[sflag:s4] =	ssyncset.done $0x0  }
0x7f: {  	[sflag:s4] =	ssyncadd.s32 $0xFFFFF980  }
0x80: {  	[tilespmem:s9], [sflag:$0x1] =	stream.indirect.gather [hbm4b:s7+s8], $0x10, s8, s8, $0xb8;
	[tilespmem:$0xA280] =	vst v63  }
0x81: {  	_ =	swait.ge [sflag:s10], $0x6800  }
0x82: {  	[sflag:s10] =	ssyncset.done $0x0  }
0x83: {  	[sflag:s10] =	ssyncadd.s32 $0xFFFF9800  }
0x84: {  	[hbm4b:s12+s8] =	stream.indirect.scatter [tilespmem:s9], [sflag:$0x2], $0x10, s6, s8, $0xb8;
	[tilespmem:$0xA280] =	vst v63  }
0x85: {  	_ =	swait.ge [sflag:s11], $0x6800  }
0x86: {  	[sflag:s11] =	ssyncset.done $0x0  }
0x87: {  	[sflag:s11] =	ssyncadd.s32 $0xFFFF9800  }
0x88: {  	[tilespmem:s6], [sflag:$0x3] =	stream.linear.gather [hbm4b:s14+s2], $0x680, $0x38;
	[tilespmem:$0xA280] =	vst v63  }
0x89: {  	_ =	swait.ge [sflag:s4], $0x680  }
0x8a: {  	[sflag:s4] =	ssyncset.done $0x0  }
0x8b: {  	[sflag:s4] =	ssyncadd.s32 $0xFFFFF980  }
0x8c: {  	[tilespmem:s9], [sflag:$0x1] =	stream.indirect.gather [hbm4b:s7+s8], $0x10, s15, s8, $0xb8;
	[tilespmem:$0xA280] =	vst v63  }
0x8d: {  	_ =	swait.ge [sflag:s10], $0x6800  }
0x8e: {  	[sflag:s10] =	ssyncset.done $0x0  }
0x8f: {  	[sflag:s10] =	ssyncadd.s32 $0xFFFF9800  }
0x90: {  	[hbm4b:s12+s8] =	stream.indirect.scatter [tilespmem:s9], [sflag:$0x2], $0x10, s6, s8, $0xb8;
	[tilespmem:$0xA280] =	vst v63  }
0x91: {  	_ =	swait.ge [sflag:s11], $0x6800  }
0x92: {  	[sflag:s11] =	ssyncset.done $0x0  }
0x93: {  	[sflag:s11] =	ssyncadd.s32 $0xFFFF9800  }
0x94: {  	[tilespmem:s6], [sflag:$0x3] =	stream.linear.gather [hbm4b:s16+s2], $0x680, $0x38;
	[tilespmem:$0xA280] =	vst v63  }
0x95: {  	_ =	swait.ge [sflag:s4], $0x680  }
0x96: {  	[sflag:s4] =	ssyncset.done $0x0  }
0x97: {  	[sflag:s4] =	ssyncadd.s32 $0xFFFFF980  }
0x98: {  	[tilespmem:s9], [sflag:$0x1] =	stream.indirect.gather [hbm4b:s7+s8], $0x10, s17, s8, $0xb8;
	[tilespmem:$0xA280] =	vst v63  }
0x99: {  	_ =	swait.ge [sflag:s10], $0x6800  }
0x9a: {  	[sflag:s10] =	ssyncset.done $0x0  }
0x9b: {  	[sflag:s10] =	ssyncadd.s32 $0xFFFF9800  }
0x9c: {  	[hbm4b:s12+s8] =	stream.indirect.scatter [tilespmem:s9], [sflag:$0x2], $0x10, s6, s8, $0xb8;
	[tilespmem:$0xA280] =	vst v63  }
0x9d: {  	_ =	swait.ge [sflag:s11], $0x6800  }
0x9e: {  	[sflag:s11] =	ssyncset.done $0x0  }
0x9f: {  	[sflag:s11] =	ssyncadd.s32 $0xFFFF9800  }
0xa0: {  	[tilespmem:s6], [sflag:$0x3] =	stream.linear.gather [hbm4b:s18+s2], $0x680, $0x38;
	[tilespmem:$0xA280] =	vst v63  }
0xa1: {  	_ =	swait.ge [sflag:s4], $0x680  }
0xa2: {  	[sflag:s4] =	ssyncset.done $0x0  }
0xa3: {  	[sflag:s4] =	ssyncadd.s32 $0xFFFFF980  }
0xa4: {  	[tilespmem:s9], [sflag:$0x1] =	stream.indirect.gather [hbm4b:s7+s8], $0x10, s19, s8, $0xb8;
	[tilespmem:$0xA280] =	vst v63  }
0xa5: {  	_ =	swait.ge [sflag:s10], $0x6800  }
0xa6: {  	[sflag:s10] =	ssyncset.done $0x0  }
0xa7: {  	[sflag:s10] =	ssyncadd.s32 $0xFFFF9800  }
0xa8: {  	[hbm4b:s12+s8] =	stream.indirect.scatter [tilespmem:s9], [sflag:$0x2], $0x10, s6, s8, $0xb8;
	[tilespmem:$0xA280] =	vst v63  }
0xa9: {  	_ =	swait.ge [sflag:s11], $0x6800  }
0xaa: {  	[sflag:s11] =	ssyncset.done $0x0  }
0xab: {  	[sflag:s11] =	ssyncadd.s32 $0xFFFF9800  }
0xac: {  	[tilespmem:s6], [sflag:$0x3] =	stream.linear.gather [hbm4b:s20+s2], $0x680, $0x38;
	[tilespmem:$0xA280] =	vst v63  }
0xad: {  	_ =	swait.ge [sflag:s4], $0x680  }
0xae: {  	[sflag:s4] =	ssyncset.done $0x0  }
0xaf: {  	[sflag:s4] =	ssyncadd.s32 $0xFFFFF980  }
0xb0: {  	[tilespmem:s9], [sflag:$0x1] =	stream.indirect.gather [hbm4b:s7+s8], $0x10, s21, s8, $0xb8;
	[tilespmem:$0xA280] =	vst v63  }
0xb1: {  	_ =	swait.ge [sflag:s10], $0x6800  }
0xb2: {  	[sflag:s10] =	ssyncset.done $0x0  }
0xb3: {  	[sflag:s10] =	ssyncadd.s32 $0xFFFF9800  }
0xb4: {  	[hbm4b:s12+s8] =	stream.indirect.scatter [tilespmem:s9], [sflag:$0x2], $0x10, s6, s8, $0xb8;
	[tilespmem:$0xA280] =	vst v63  }
0xb5: {  	_ =	swait.ge [sflag:s11], $0x6800  }
0xb6: {  	[sflag:s11] =	ssyncset.done $0x0  }
0xb7: {  	[sflag:s11] =	ssyncadd.s32 $0xFFFF9800  }
0xb8: {  	[tilespmem:s6], [sflag:$0x3] =	stream.linear.gather [hbm4b:s22+s2], $0x680, $0x38;
	[tilespmem:$0xA280] =	vst v63  }
0xb9: {  	_ =	swait.ge [sflag:s4], $0x680  }
0xba: {  	[sflag:s4] =	ssyncset.done $0x0  }
0xbb: {  	[sflag:s4] =	ssyncadd.s32 $0xFFFFF980  }
0xbc: {  	[tilespmem:s9], [sflag:$0x1] =	stream.indirect.gather [hbm4b:s7+s8], $0x10, s23, s8, $0xb8;
	[tilespmem:$0xA280] =	vst v63  }
0xbd: {  	_ =	swait.ge [sflag:s10], $0x6800  }
0xbe: {  	[sflag:s10] =	ssyncset.done $0x0  }
0xbf: {  	[sflag:s10] =	ssyncadd.s32 $0xFFFF9800  }
0xc0: {  	[hbm4b:s12+s8] =	stream.indirect.scatter [tilespmem:s9], [sflag:$0x2], $0x10, s6, s8, $0xb8;
	[tilespmem:$0xA280] =	vst v63  }
0xc1: {  	_ =	swait.ge [sflag:s11], $0x6800  }
0xc2: {  	[sflag:s11] =	ssyncset.done $0x0  }
0xc3: {  	[sflag:s11] =	ssyncadd.s32 $0xFFFF9800  }
0xc4: {  	[tilespmem:s6], [sflag:$0x3] =	stream.linear.gather [hbm4b:s24+s2], $0x680, $0x38;
	[tilespmem:$0xA280] =	vst v63  }
0xc5: {  	_ =	swait.ge [sflag:s4], $0x680  }
0xc6: {  	[sflag:s4] =	ssyncset.done $0x0  }
0xc7: {  	[sflag:s4] =	ssyncadd.s32 $0xFFFFF980  }
0xc8: {  	[tilespmem:s9], [sflag:$0x1] =	stream.indirect.gather [hbm4b:s7+s8], $0x10, s25, s8, $0xb8;
	[tilespmem:$0xA280] =	vst v63  }
0xc9: {  	_ =	swait.ge [sflag:s10], $0x6800  }
.Ltmp1:
0xca: {  	[sflag:s10] =	ssyncset.done $0x0;
	(pc) =	sbr.rel @p0 .LBB2_1-.Ltmp1, $4  }
0xcb: {  	[sflag:s10] =	ssyncadd.s32 $0xFFFF9800  }
0xcc: {  	[hbm4b:s12+s8] =	stream.indirect.scatter [tilespmem:s9], [sflag:$0x2], $0x10, s6, s8, $0xb8;
	[tilespmem:$0xA280] =	vst v63  }
0xcd: {  	_ =	swait.ge [sflag:s11], $0x6800  }
0xce: {  	[sflag:s11] =	ssyncset.done $0x0  }
.LBB2_2:
0xcf: {  	[sflag:s11] =	ssyncadd.s32 $0xFFFF9800  }
0xd0: {  	_ =	sfence.sel $0x180000  }
0xd1: {  	[bflag:$0x0] =	sbarrier.arrive $0xFFFF  }
0xd2: {  	p0 =	sne.s32 s0, $0x0;
	_ =	strace $0x90000047  }
0xd3: {  	s0 =	sadd.s32 @!p0 $0x100000, s1;
	[bflag:$0x2] =	sbarrier.arrive $0xFFFF  }
0xd4: {  	[sflag:s0] =	ssyncadd.tile.s32 @!p0 $0x1;
	_ =	shalt  }
.Lfunc_end2:
_tile_overlayer_lowered:
.L_overlay_start_2:
0xd5: {  	(tag) =	ssettag $0x2  }
0xd6: {  	s0 =	rddreg [dreg:$0x0];
	s2 =	stileid.u32  }
0xd7: {  	s1 =	rddreg [dreg:$0x1];
	p0 =	sne.s32 s2, $0x0  }
0xd8: {  	s3 =	rddreg [dreg:$0x2];
	[bflag:$0x3] =	sbarrier.arrive $0xFFFF;
	s2 =	simm.s32 @!p0 $0x1C03  }
0xd9: {  	[timem:s3], [sflag:s2] =	dma.local @!p0 [hbm:s0], s1  }
0xda: {  	s0 =	simm.s32 @!p0 $0x3  }
0xdb: {  	_ =	swait.ge @!p0 [sflag:s0], s1  }
0xdc: {  	s1 =	ssub.s32 @!p0 $0x0, s1;
	[sflag:s0] =	ssyncset.done @!p0 $0x0  }
0xdd: {  	[sflag:s0] =	ssyncadd.s32 @!p0 s1  }
0xde: {  	[bflag:$0x3] =	sbarrier.arrive $0xFFFF  }
0xdf: {  	_ =	shalt  }

</sc_bundles>
